<compile_context>
chip_gen: v7x
topology: tpu7x:2x2x1
jax: 0.10.2.dev20260603
libtpu: 0.0.44.dev20260713+nightly
codegen_flags: <defaults>
</compile_context>

<pallas_src>
import functools

import jax
import jax.numpy as jnp
from jax import lax
from jax.experimental import pallas as pl
from jax.experimental.pallas import tpu as pltpu
from jax.experimental.pallas import tpu_sc as plsc

_TOP_K = 8
_BT = 512
_CHUNKS = (4096, 4096, 4096, 4096)
_L = 16


def _matmul_body(x_ref, w_ref, logits_ref):
    logits_ref[...] = jax.lax.dot_general(
        x_ref[...], w_ref[...], (((1,), (1,)), ((), ())),
        preferred_element_type=jnp.float32,
    )


def _tc_logits(x, w, base_tokens, n_chunk_tokens):
    hidden_dim = x.shape[1]
    n_experts = w.shape[0]
    base = base_tokens // _BT
    return pl.pallas_call(
        _matmul_body,
        grid=(n_chunk_tokens // _BT,),
        in_specs=[
            pl.BlockSpec((_BT, hidden_dim), lambda i: (base + i, 0)),
            pl.BlockSpec((n_experts, hidden_dim), lambda i: (0, 0)),
        ],
        out_specs=pl.BlockSpec((_BT, n_experts), lambda i: (i, 0)),
        out_shape=jax.ShapeDtypeStruct((n_chunk_tokens, n_experts), jnp.float32),
    )(x, w)


def _sc_topk(logits, n_rows):
    nc, ns = 2, 16
    nw = nc * ns
    rpw = n_rows // nw

    gdn = lax.GatherDimensionNumbers(
        offset_dims=(), collapsed_slice_dims=(0,), start_index_map=(0,)
    )

    def _shuf(x, idx):
        return lax.gather(
            x, idx[:, None], gdn, (1,),
            mode=lax.GatherScatterMode.PROMISE_IN_BOUNDS,
        )

    mesh = plsc.VectorSubcoreMesh(
        core_axis_name="c", subcore_axis_name="s", num_cores=nc, num_subcores=ns
    )

    @functools.partial(
        pl.kernel,
        out_type=[
            jax.ShapeDtypeStruct((n_rows * _TOP_K,), jnp.float32),
            jax.ShapeDtypeStruct((n_rows * _TOP_K,), jnp.int32),
        ],
        mesh=mesh,
        scratch_types=[
            pltpu.VMEM((rpw, 64), jnp.float32),
            pltpu.VMEM((rpw * _TOP_K + 8,), jnp.float32),
            pltpu.VMEM((rpw * _TOP_K + 8,), jnp.int32),
        ],
        compiler_params=pltpu.CompilerParams(needs_layout_passes=False),
    )
    def k(logits_hbm, w_hbm, i_hbm, rows_v, ow_v, oi_v):
        wid = lax.axis_index("s") * nc + lax.axis_index("c")
        base = wid * rpw
        pltpu.sync_copy(logits_hbm.at[pl.ds(base, rpw)], rows_v)

        lane = lax.iota(jnp.int32, _L)
        shift8 = jnp.maximum(lane - 8, 0)
        low8 = lane < 8

        def _merge(a, ai, b, bi):
            ck = jnp.where(low8, a, _shuf(b, shift8))
            cv = jnp.where(low8, ai, _shuf(bi, shift8))
            return plsc.sort_key_val(ck, cv, descending=True)

        def row_body(r, _):
            s = []
            for j in range(4):
                v = rows_v[r, pl.ds(j * _L, _L)]
                s.append(plsc.sort_key_val(v, lane + j * _L, descending=True))
            k01, v01 = _merge(s[0][0], s[0][1], s[1][0], s[1][1])
            k23, v23 = _merge(s[2][0], s[2][1], s[3][0], s[3][1])
            fk, fv = _merge(k01, v01, k23, v23)
            e = jnp.where(low8, jnp.exp(fk - jnp.max(fk)), 0.0)
            s_vec = lax.broadcast_in_dim(jnp.sum(e), (_L,), ())
            wts = e / s_vec
            ow_v[pl.ds(r * _TOP_K, _L)] = wts
            oi_v[pl.ds(r * _TOP_K, _L)] = fv
            return 0

        lax.fori_loop(0, rpw, row_body, 0)
        pltpu.sync_copy(ow_v.at[pl.ds(0, rpw * _TOP_K)],
                        w_hbm.at[pl.ds(base * _TOP_K, rpw * _TOP_K)])
        pltpu.sync_copy(oi_v.at[pl.ds(0, rpw * _TOP_K)],
                        i_hbm.at[pl.ds(base * _TOP_K, rpw * _TOP_K)])

    return k(logits)


@jax.jit
def kernel(hidden_states, W):
    n_tokens = hidden_states.shape[0]
    logits_parts, rw_parts, idx_parts = [], [], []
    base = 0
    for sz in _CHUNKS:
        lg = _tc_logits(hidden_states, W, base, sz)
        rw_f, idx_f = _sc_topk(lg, sz)
        logits_parts.append(lg)
        rw_parts.append(rw_f.reshape(sz, _TOP_K))
        idx_parts.append(idx_f.reshape(sz, _TOP_K))
        base += sz
    logits = jnp.concatenate(logits_parts, axis=0)
    rw = jnp.concatenate(rw_parts, axis=0)
    idx = jnp.concatenate(idx_parts, axis=0)
    return rw, idx, logits

# --- scband reference (transcript-rebuilt; emitter-appended) ---
"""Pipeline reference for scband-mock-olmoe-top-krouter-25022479466899 (READ-ONLY COPY).

The authoritative reference and input builder live on the scoring server;
editing this copy changes nothing except your own understanding.
"""

import jax, jax.numpy as jnp
import numpy as np

TOP_K = 8
NUM_EXPERTS = 64
HIDDEN_DIM = 4096
N_TOKENS = 16384


def setup_inputs(seed: int = 0) -> dict:
    key = jax.random.key(seed)
    k1, k2 = jax.random.split(key)
    hidden_states = jax.random.normal(k1, (N_TOKENS, HIDDEN_DIM), dtype=jnp.float32)
    # nn.Linear(hidden_dim, num_experts, bias=False) weight has shape [num_experts, hidden_dim]
    W = jax.random.normal(k2, (NUM_EXPERTS, HIDDEN_DIM), dtype=jnp.float32) * 0.02
    return {"hidden_states": hidden_states, "W": W}


def reference(hidden_states, W):
    # router_logits = self.gate(hidden_states)
    router_logits = hidden_states @ W.T
    # torch.topk(router_logits, k=top_k, dim=-1)
    routing_weights, selected_experts = jax.lax.top_k(router_logits, TOP_K)
    # F.softmax(routing_weights, dim=-1, dtype=torch.float)
    routing_weights = jax.nn.softmax(routing_weights.astype(jnp.float32), axis=-1)
    return (routing_weights, selected_experts, router_logits)

if __name__ == "__main__":
    import jax
    _d = setup_inputs()
    print(jax.jit(kernel)(*tuple(_d.values())))

</pallas_src>

<mosaic_0001>
#map = affine_map<(d0, d1) -> (0, 0)>
#map1 = affine_map<(d0, d1) -> (0)>
module attributes {stable_mosaic.version = 14 : i64} {
  func.func @k(%arg0: i32, %arg1: i32, %arg2: memref<4096x64xf32, #tpu.memory_space<hbm>>, %arg3: memref<32768xf32, #tpu.memory_space<hbm>>, %arg4: memref<32768xi32, #tpu.memory_space<hbm>>, %arg5: memref<128x64xf32, #tpu.memory_space<vmem>>, %arg6: memref<1032xf32, #tpu.memory_space<vmem>>, %arg7: memref<1032xi32, #tpu.memory_space<vmem>>) attributes {dimension_semantics = [#tpu.dimension_semantics<core_parallel>, #tpu.dimension_semantics<subcore_parallel>], iteration_bounds = array<i64: 2, 16>, scalar_prefetch = 0 : i64, scratch_operands = 3 : i64, tpu.core_type = #tpu.core_type<sc_vector_subcore>, window_params = [{transform_indices = #map}, {transform_indices = #map1}, {transform_indices = #map1}]} {
    %mul3A = arith.constant 2 : i32
    %mul3A_0 = arith.muli %arg1, %mul3A : i32
    %add3A = arith.addi %mul3A_0, %arg0 : i32
    %mul3A_1 = arith.constant 128 : i32
    %mul3A_2 = arith.muli %add3A, %mul3A_1 : i32
    "tpu.region"() ({
      %run_scoped3A = tpu.sem_alloc : memref<!tpu.dma_semaphore, #tpu.memory_space<semaphore_mem>>
      %dma_start3A = arith.constant 0 : i32
      %dma_start3A_19 = tpu.memref_slice %arg2[%mul3A_2, %dma_start3A] : memref<4096x64xf32, #tpu.memory_space<hbm>> -> memref<128x64xf32, #tpu.memory_space<hbm>>
      %dma_start3A_20 = arith.constant 0 : i32
      %dma_start3A_21 = tpu.memref_slice %arg2[%mul3A_2, %dma_start3A_20] : memref<4096x64xf32, #tpu.memory_space<hbm>> -> memref<128x64xf32, #tpu.memory_space<hbm>>
      tpu.enqueue_dma source(%dma_start3A_21 : memref<128x64xf32, #tpu.memory_space<hbm>>) target(%arg5 : memref<128x64xf32, #tpu.memory_space<vmem>>) target_semaphore(%run_scoped3A : memref<!tpu.dma_semaphore, #tpu.memory_space<semaphore_mem>>)
      %dma_wait3A = arith.constant 0 : i32
      %dma_wait3A_22 = tpu.memref_slice %arg2[%mul3A_2, %dma_wait3A] : memref<4096x64xf32, #tpu.memory_space<hbm>> -> memref<128x64xf32, #tpu.memory_space<hbm>>
      %dma_wait3A_23 = arith.constant 0 : i32
      %dma_wait3A_24 = tpu.memref_slice %arg2[%mul3A_2, %dma_wait3A_23] : memref<4096x64xf32, #tpu.memory_space<hbm>> -> memref<128x64xf32, #tpu.memory_space<hbm>>
      tpu.wait_dma2 semaphore(%run_scoped3A : memref<!tpu.dma_semaphore, #tpu.memory_space<semaphore_mem>>) src(%dma_wait3A_24 : memref<128x64xf32, #tpu.memory_space<hbm>>) dst(%arg5 : memref<128x64xf32, #tpu.memory_space<vmem>>)
      tpu.yield
    }) : () -> ()
    %iota3A = tpu.iota {dimensions = array<i32: 0>} : vector<16xi32>
    %sub3A = arith.constant 8 : i32
    %sub3A_3 = vector.broadcast %sub3A : i32 to vector<16xi32>
    %sub3A_4 = arith.subi %iota3A, %sub3A_3 : vector<16xi32>
    %max3A = arith.constant 0 : i32
    %max3A_5 = vector.broadcast %max3A : i32 to vector<16xi32>
    %max3A_6 = arith.maxsi %sub3A_4, %max3A_5 : vector<16xi32>
    %lt3A = arith.constant 8 : i32
    %lt3A_7 = vector.broadcast %lt3A : i32 to vector<16xi32>
    %lt3A_8 = arith.cmpi slt, %iota3A, %lt3A_7 : vector<16xi32>
    %scan3A = arith.constant 0 : i32
    %scan3A_9 = arith.constant 0 : i32
    %scan3A_10 = arith.constant 128 : i32
    %scan3A_11 = arith.addi %scan3A_9, %scan3A_10 : i32
    %scan3A_12 = arith.constant 1 : i32
    %scan3A_13 = scf.for %scan3A_19 = %scan3A_9 to %scan3A_11 step %scan3A_12 iter_args(%scan3A_20 = %scan3A) -> (i32)  : i32 {
      %get3A = arith.index_cast %scan3A_19 : i32 to index
      %get3A_21 = arith.constant 0 : index
      %get3A_22 = tpu.vector_load %arg5[%get3A, %get3A_21] {strides = array<i32>} : memref<128x64xf32, #tpu.memory_space<vmem>>, vector<16xf32>,
      %add3A_23 = arith.constant 0 : i32
      %add3A_24 = vector.broadcast %add3A_23 : i32 to vector<16xi32>
      %add3A_25 = arith.addi %iota3A, %add3A_24 : vector<16xi32>
      %masked_sort3A = arith.constant dense<true> : vector<16xi1>
      %masked_sort3A_26, %masked_sort3A_27, %masked_sort3A_28 = tpu.sort %get3A_22, %add3A_25 masked %masked_sort3A {descending = true} : (vector<16xf32>, vector<16xi32>, vector<16xi1>) -> (vector<16xi1>, vector<16xf32>, vector<16xi32>)
      %get3A_29 = arith.index_cast %scan3A_19 : i32 to index
      %get3A_30 = arith.constant 16 : index
      %get3A_31 = tpu.vector_load %arg5[%get3A_29, %get3A_30] {strides = array<i32>} : memref<128x64xf32, #tpu.memory_space<vmem>>, vector<16xf32>,
      %add3A_32 = arith.constant 16 : i32
      %add3A_33 = vector.broadcast %add3A_32 : i32 to vector<16xi32>
      %add3A_34 = arith.addi %iota3A, %add3A_33 : vector<16xi32>
      %masked_sort3A_35 = arith.constant dense<true> : vector<16xi1>
      %masked_sort3A_36, %masked_sort3A_37, %masked_sort3A_38 = tpu.sort %get3A_31, %add3A_34 masked %masked_sort3A_35 {descending = true} : (vector<16xf32>, vector<16xi32>, vector<16xi1>) -> (vector<16xi1>, vector<16xf32>, vector<16xi32>)
      %get3A_39 = arith.index_cast %scan3A_19 : i32 to index
      %get3A_40 = arith.constant 32 : index
      %get3A_41 = tpu.vector_load %arg5[%get3A_39, %get3A_40] {strides = array<i32>} : memref<128x64xf32, #tpu.memory_space<vmem>>, vector<16xf32>,
      %add3A_42 = arith.constant 32 : i32
      %add3A_43 = vector.broadcast %add3A_42 : i32 to vector<16xi32>
      %add3A_44 = arith.addi %iota3A, %add3A_43 : vector<16xi32>
      %masked_sort3A_45 = arith.constant dense<true> : vector<16xi1>
      %masked_sort3A_46, %masked_sort3A_47, %masked_sort3A_48 = tpu.sort %get3A_41, %add3A_44 masked %masked_sort3A_45 {descending = true} : (vector<16xf32>, vector<16xi32>, vector<16xi1>) -> (vector<16xi1>, vector<16xf32>, vector<16xi32>)
      %get3A_49 = arith.index_cast %scan3A_19 : i32 to index
      %get3A_50 = arith.constant 48 : index
      %get3A_51 = tpu.vector_load %arg5[%get3A_49, %get3A_50] {strides = array<i32>} : memref<128x64xf32, #tpu.memory_space<vmem>>, vector<16xf32>,
      %add3A_52 = arith.constant 48 : i32
      %add3A_53 = vector.broadcast %add3A_52 : i32 to vector<16xi32>
      %add3A_54 = arith.addi %iota3A, %add3A_53 : vector<16xi32>
      %masked_sort3A_55 = arith.constant dense<true> : vector<16xi1>
      %masked_sort3A_56, %masked_sort3A_57, %masked_sort3A_58 = tpu.sort %get3A_51, %add3A_54 masked %masked_sort3A_55 {descending = true} : (vector<16xf32>, vector<16xi32>, vector<16xi1>) -> (vector<16xi1>, vector<16xf32>, vector<16xi32>)
      %broadcast_in_dim3A = vector.shape_cast %max3A_6 : vector<16xi32> to vector<16x1xi32>
      %gather3A = vector.shape_cast %broadcast_in_dim3A : vector<16x1xi32> to vector<16xi32>
      %gather3A_59 = tpu.dynamic_gather %masked_sort3A_37[%gather3A] in [0] : vector<16xf32>, vector<16xi32> -> vector<16xf32>
      %select_n3A = arith.select %lt3A_8, %masked_sort3A_27, %gather3A_59 : vector<16xi1>, vector<16xf32>
      %broadcast_in_dim3A_60 = vector.shape_cast %max3A_6 : vector<16xi32> to vector<16x1xi32>
      %gather3A_61 = vector.shape_cast %broadcast_in_dim3A_60 : vector<16x1xi32> to vector<16xi32>
      %gather3A_62 = tpu.dynamic_gather %masked_sort3A_38[%gather3A_61] in [0] : vector<16xi32>, vector<16xi32> -> vector<16xi32>
      %select_n3A_63 = arith.select %lt3A_8, %masked_sort3A_28, %gather3A_62 : vector<16xi1>, vector<16xi32>
      %masked_sort3A_64 = arith.constant dense<true> : vector<16xi1>
      %masked_sort3A_65, %masked_sort3A_66, %masked_sort3A_67 = tpu.sort %select_n3A, %select_n3A_63 masked %masked_sort3A_64 {descending = true} : (vector<16xf32>, vector<16xi32>, vector<16xi1>) -> (vector<16xi1>, vector<16xf32>, vector<16xi32>)
      %broadcast_in_dim3A_68 = vector.shape_cast %max3A_6 : vector<16xi32> to vector<16x1xi32>
      %gather3A_69 = vector.shape_cast %broadcast_in_dim3A_68 : vector<16x1xi32> to vector<16xi32>
      %gather3A_70 = tpu.dynamic_gather %masked_sort3A_57[%gather3A_69] in [0] : vector<16xf32>, vector<16xi32> -> vector<16xf32>
      %select_n3A_71 = arith.select %lt3A_8, %masked_sort3A_47, %gather3A_70 : vector<16xi1>, vector<16xf32>
      %broadcast_in_dim3A_72 = vector.shape_cast %max3A_6 : vector<16xi32> to vector<16x1xi32>
      %gather3A_73 = vector.shape_cast %broadcast_in_dim3A_72 : vector<16x1xi32> to vector<16xi32>
      %gather3A_74 = tpu.dynamic_gather %masked_sort3A_58[%gather3A_73] in [0] : vector<16xi32>, vector<16xi32> -> vector<16xi32>
      %select_n3A_75 = arith.select %lt3A_8, %masked_sort3A_48, %gather3A_74 : vector<16xi1>, vector<16xi32>
      %masked_sort3A_76 = arith.constant dense<true> : vector<16xi1>
      %masked_sort3A_77, %masked_sort3A_78, %masked_sort3A_79 = tpu.sort %select_n3A_71, %select_n3A_75 masked %masked_sort3A_76 {descending = true} : (vector<16xf32>, vector<16xi32>, vector<16xi1>) -> (vector<16xi1>, vector<16xf32>, vector<16xi32>)
      %broadcast_in_dim3A_80 = vector.shape_cast %max3A_6 : vector<16xi32> to vector<16x1xi32>
      %gather3A_81 = vector.shape_cast %broadcast_in_dim3A_80 : vector<16x1xi32> to vector<16xi32>
      %gather3A_82 = tpu.dynamic_gather %masked_sort3A_78[%gather3A_81] in [0] : vector<16xf32>, vector<16xi32> -> vector<16xf32>
      %select_n3A_83 = arith.select %lt3A_8, %masked_sort3A_66, %gather3A_82 : vector<16xi1>, vector<16xf32>
      %broadcast_in_dim3A_84 = vector.shape_cast %max3A_6 : vector<16xi32> to vector<16x1xi32>
      %gather3A_85 = vector.shape_cast %broadcast_in_dim3A_84 : vector<16x1xi32> to vector<16xi32>
      %gather3A_86 = tpu.dynamic_gather %masked_sort3A_79[%gather3A_85] in [0] : vector<16xi32>, vector<16xi32> -> vector<16xi32>
      %select_n3A_87 = arith.select %lt3A_8, %masked_sort3A_67, %gather3A_86 : vector<16xi1>, vector<16xi32>
      %masked_sort3A_88 = arith.constant dense<true> : vector<16xi1>
      %masked_sort3A_89, %masked_sort3A_90, %masked_sort3A_91 = tpu.sort %select_n3A_83, %select_n3A_87 masked %masked_sort3A_88 {descending = true} : (vector<16xf32>, vector<16xi32>, vector<16xi1>) -> (vector<16xi1>, vector<16xf32>, vector<16xi32>)
      %reduce_max3A = arith.constant true
      %reduce_max3A_92 = vector.broadcast %reduce_max3A : i1 to vector<16xi1>
      %reduce_max3A_93 = tpu.scan <max>, %masked_sort3A_90 masked %reduce_max3A_92 : vector<16xf32>, vector<16xi1> -> vector<16xf32>
      %reduce_max3A_94 = vector.extract %reduce_max3A_93[15] : f32 from vector<16xf32>
      %sub3A_95 = vector.broadcast %reduce_max3A_94 : f32 to vector<16xf32>
      %sub3A_96 = arith.subf %masked_sort3A_90, %sub3A_95 : vector<16xf32>
      %exp3A = math.exp %sub3A_96 : vector<16xf32>
      %jit3A = arith.constant 0.000000e+00 : f32
      %broadcast_in_dim3A_97 = vector.broadcast %jit3A : f32 to vector<16xf32>
      %select_n3A_98 = arith.select %lt3A_8, %exp3A, %broadcast_in_dim3A_97 : vector<16xi1>, vector<16xf32>
      %reduce_sum3A = arith.constant true
      %reduce_sum3A_99 = vector.broadcast %reduce_sum3A : i1 to vector<16xi1>
      %reduce_sum3A_100 = tpu.scan <sum>, %select_n3A_98 masked %reduce_sum3A_99 : vector<16xf32>, vector<16xi1> -> vector<16xf32>
      %reduce_sum3A_101 = vector.extract %reduce_sum3A_100[15] : f32 from vector<16xf32>
      %broadcast_in_dim3A_102 = vector.broadcast %reduce_sum3A_101 : f32 to vector<16xf32>
      %div3A = arith.divf %select_n3A_98, %broadcast_in_dim3A_102 : vector<16xf32>
      %mul3A_103 = arith.constant 8 : i32
      %mul3A_104 = arith.muli %scan3A_19, %mul3A_103 : i32
      %swap3A = arith.index_cast %mul3A_104 : i32 to index
      %swap3A_105 = tpu.vector_load %arg6[%swap3A] {strides = array<i32>} : memref<1032xf32, #tpu.memory_space<vmem>>, vector<16xf32>,
      tpu.vector_store %arg6[%swap3A], %div3A {strides = array<i32>} : memref<1032xf32, #tpu.memory_space<vmem>>, vector<16xf32>,
      %mul3A_106 = arith.constant 8 : i32
      %mul3A_107 = arith.muli %scan3A_19, %mul3A_106 : i32
      %swap3A_108 = arith.index_cast %mul3A_107 : i32 to index
      %swap3A_109 = tpu.vector_load %arg7[%swap3A_108] {strides = array<i32>} : memref<1032xi32, #tpu.memory_space<vmem>>, vector<16xi32>,
      tpu.vector_store %arg7[%swap3A_108], %masked_sort3A_91 {strides = array<i32>} : memref<1032xi32, #tpu.memory_space<vmem>>, vector<16xi32>,
      %scan3A_110 = arith.constant 0 : i32
      scf.yield %scan3A_110 : i32
    }
    %scan3A_14 = arith.constant 128 : i32
    %mul3A_15 = arith.constant 8 : i32
    %mul3A_16 = arith.muli %mul3A_2, %mul3A_15 : i32
    "tpu.region"() ({
      %run_scoped3A = tpu.sem_alloc : memref<!tpu.dma_semaphore, #tpu.memory_space<semaphore_mem>>
      %dma_start3A = arith.constant 0 : i32
      %dma_start3A_19 = tpu.memref_slice %arg6[%dma_start3A] : memref<1032xf32, #tpu.memory_space<vmem>> -> memref<1024xf32, #tpu.memory_space<vmem>>
      %dma_start3A_20 = tpu.memref_slice %arg3[%mul3A_16] : memref<32768xf32, #tpu.memory_space<hbm>> -> memref<1024xf32, #tpu.memory_space<hbm>>
      %dma_start3A_21 = tpu.memref_slice %arg3[%mul3A_16] : memref<32768xf32, #tpu.memory_space<hbm>> -> memref<1024xf32, #tpu.memory_space<hbm>>
      %dma_start3A_22 = arith.constant 0 : i32
      %dma_start3A_23 = tpu.memref_slice %arg6[%dma_start3A_22] : memref<1032xf32, #tpu.memory_space<vmem>> -> memref<1024xf32, #tpu.memory_space<vmem>>
      tpu.enqueue_dma source(%dma_start3A_23 : memref<1024xf32, #tpu.memory_space<vmem>>) target(%dma_start3A_21 : memref<1024xf32, #tpu.memory_space<hbm>>) target_semaphore(%run_scoped3A : memref<!tpu.dma_semaphore, #tpu.memory_space<semaphore_mem>>)
      %dma_wait3A = arith.constant 0 : i32
      %dma_wait3A_24 = tpu.memref_slice %arg6[%dma_wait3A] : memref<1032xf32, #tpu.memory_space<vmem>> -> memref<1024xf32, #tpu.memory_space<vmem>>
      %dma_wait3A_25 = tpu.memref_slice %arg3[%mul3A_16] : memref<32768xf32, #tpu.memory_space<hbm>> -> memref<1024xf32, #tpu.memory_space<hbm>>
      %dma_wait3A_26 = tpu.memref_slice %arg3[%mul3A_16] : memref<32768xf32, #tpu.memory_space<hbm>> -> memref<1024xf32, #tpu.memory_space<hbm>>
      %dma_wait3A_27 = arith.constant 0 : i32
      %dma_wait3A_28 = tpu.memref_slice %arg6[%dma_wait3A_27] : memref<1032xf32, #tpu.memory_space<vmem>> -> memref<1024xf32, #tpu.memory_space<vmem>>
      tpu.wait_dma2 semaphore(%run_scoped3A : memref<!tpu.dma_semaphore, #tpu.memory_space<semaphore_mem>>) src(%dma_wait3A_28 : memref<1024xf32, #tpu.memory_space<vmem>>) dst(%dma_wait3A_26 : memref<1024xf32, #tpu.memory_space<hbm>>)
      tpu.yield
    }) : () -> ()
    %mul3A_17 = arith.constant 8 : i32
    %mul3A_18 = arith.muli %mul3A_2, %mul3A_17 : i32
    "tpu.region"() ({
      %run_scoped3A = tpu.sem_alloc : memref<!tpu.dma_semaphore, #tpu.memory_space<semaphore_mem>>
      %dma_start3A = arith.constant 0 : i32
      %dma_start3A_19 = tpu.memref_slice %arg7[%dma_start3A] : memref<1032xi32, #tpu.memory_space<vmem>> -> memref<1024xi32, #tpu.memory_space<vmem>>
      %dma_start3A_20 = tpu.memref_slice %arg4[%mul3A_18] : memref<32768xi32, #tpu.memory_space<hbm>> -> memref<1024xi32, #tpu.memory_space<hbm>>
      %dma_start3A_21 = tpu.memref_slice %arg4[%mul3A_18] : memref<32768xi32, #tpu.memory_space<hbm>> -> memref<1024xi32, #tpu.memory_space<hbm>>
      %dma_start3A_22 = arith.constant 0 : i32
      %dma_start3A_23 = tpu.memref_slice %arg7[%dma_start3A_22] : memref<1032xi32, #tpu.memory_space<vmem>> -> memref<1024xi32, #tpu.memory_space<vmem>>
      tpu.enqueue_dma source(%dma_start3A_23 : memref<1024xi32, #tpu.memory_space<vmem>>) target(%dma_start3A_21 : memref<1024xi32, #tpu.memory_space<hbm>>) target_semaphore(%run_scoped3A : memref<!tpu.dma_semaphore, #tpu.memory_space<semaphore_mem>>)
      %dma_wait3A = arith.constant 0 : i32
      %dma_wait3A_24 = tpu.memref_slice %arg7[%dma_wait3A] : memref<1032xi32, #tpu.memory_space<vmem>> -> memref<1024xi32, #tpu.memory_space<vmem>>
      %dma_wait3A_25 = tpu.memref_slice %arg4[%mul3A_18] : memref<32768xi32, #tpu.memory_space<hbm>> -> memref<1024xi32, #tpu.memory_space<hbm>>
      %dma_wait3A_26 = tpu.memref_slice %arg4[%mul3A_18] : memref<32768xi32, #tpu.memory_space<hbm>> -> memref<1024xi32, #tpu.memory_space<hbm>>
      %dma_wait3A_27 = arith.constant 0 : i32
      %dma_wait3A_28 = tpu.memref_slice %arg7[%dma_wait3A_27] : memref<1032xi32, #tpu.memory_space<vmem>> -> memref<1024xi32, #tpu.memory_space<vmem>>
      tpu.wait_dma2 semaphore(%run_scoped3A : memref<!tpu.dma_semaphore, #tpu.memory_space<semaphore_mem>>) src(%dma_wait3A_28 : memref<1024xi32, #tpu.memory_space<vmem>>) dst(%dma_wait3A_26 : memref<1024xi32, #tpu.memory_space<hbm>>)
      tpu.yield
    }) : () -> ()
    return
  }
}

#map = affine_map<(d0, d1) -> (0, 0)>
#map1 = affine_map<(d0, d1) -> (0)>
module attributes {stable_mosaic.version = 14 : i64} {
  func.func @k(%arg0: i32, %arg1: i32, %arg2: memref<4096x64xf32, #tpu.memory_space<hbm>>, %arg3: memref<32768xf32, #tpu.memory_space<hbm>>, %arg4: memref<32768xi32, #tpu.memory_space<hbm>>, %arg5: memref<128x64xf32, #tpu.memory_space<vmem>>, %arg6: memref<1032xf32, #tpu.memory_space<vmem>>, %arg7: memref<1032xi32, #tpu.memory_space<vmem>>) attributes {dimension_semantics = [#tpu.dimension_semantics<core_parallel>, #tpu.dimension_semantics<subcore_parallel>], iteration_bounds = array<i64: 2, 16>, scalar_prefetch = 0 : i64, scratch_operands = 3 : i64, tpu.core_type = #tpu.core_type<sc_vector_subcore>, window_params = [{transform_indices = #map}, {transform_indices = #map1}, {transform_indices = #map1}]} {
    %mul3A = arith.constant 2 : i32
    %mul3A_0 = arith.muli %arg1, %mul3A : i32
    %add3A = arith.addi %mul3A_0, %arg0 : i32
    %mul3A_1 = arith.constant 128 : i32
    %mul3A_2 = arith.muli %add3A, %mul3A_1 : i32
    "tpu.region"() ({
      %run_scoped3A = tpu.sem_alloc : memref<!tpu.dma_semaphore, #tpu.memory_space<semaphore_mem>>
      %dma_start3A = arith.constant 0 : i32
      %dma_start3A_19 = tpu.memref_slice %arg2[%mul3A_2, %dma_start3A] : memref<4096x64xf32, #tpu.memory_space<hbm>> -> memref<128x64xf32, #tpu.memory_space<hbm>>
      %dma_start3A_20 = arith.constant 0 : i32
      %dma_start3A_21 = tpu.memref_slice %arg2[%mul3A_2, %dma_start3A_20] : memref<4096x64xf32, #tpu.memory_space<hbm>> -> memref<128x64xf32, #tpu.memory_space<hbm>>
      tpu.enqueue_dma source(%dma_start3A_21 : memref<128x64xf32, #tpu.memory_space<hbm>>) target(%arg5 : memref<128x64xf32, #tpu.memory_space<vmem>>) target_semaphore(%run_scoped3A : memref<!tpu.dma_semaphore, #tpu.memory_space<semaphore_mem>>)
      %dma_wait3A = arith.constant 0 : i32
      %dma_wait3A_22 = tpu.memref_slice %arg2[%mul3A_2, %dma_wait3A] : memref<4096x64xf32, #tpu.memory_space<hbm>> -> memref<128x64xf32, #tpu.memory_space<hbm>>
      %dma_wait3A_23 = arith.constant 0 : i32
      %dma_wait3A_24 = tpu.memref_slice %arg2[%mul3A_2, %dma_wait3A_23] : memref<4096x64xf32, #tpu.memory_space<hbm>> -> memref<128x64xf32, #tpu.memory_space<hbm>>
      tpu.wait_dma2 semaphore(%run_scoped3A : memref<!tpu.dma_semaphore, #tpu.memory_space<semaphore_mem>>) src(%dma_wait3A_24 : memref<128x64xf32, #tpu.memory_space<hbm>>) dst(%arg5 : memref<128x64xf32, #tpu.memory_space<vmem>>)
      tpu.yield
    }) : () -> ()
    %iota3A = tpu.iota {dimensions = array<i32: 0>} : vector<16xi32>
    %sub3A = arith.constant 8 : i32
    %sub3A_3 = vector.broadcast %sub3A : i32 to vector<16xi32>
    %sub3A_4 = arith.subi %iota3A, %sub3A_3 : vector<16xi32>
    %max3A = arith.constant 0 : i32
    %max3A_5 = vector.broadcast %max3A : i32 to vector<16xi32>
    %max3A_6 = arith.maxsi %sub3A_4, %max3A_5 : vector<16xi32>
    %lt3A = arith.constant 8 : i32
    %lt3A_7 = vector.broadcast %lt3A : i32 to vector<16xi32>
    %lt3A_8 = arith.cmpi slt, %iota3A, %lt3A_7 : vector<16xi32>
    %scan3A = arith.constant 0 : i32
    %scan3A_9 = arith.constant 0 : i32
    %scan3A_10 = arith.constant 128 : i32
    %scan3A_11 = arith.addi %scan3A_9, %scan3A_10 : i32
    %scan3A_12 = arith.constant 1 : i32
    %scan3A_13 = scf.for %scan3A_19 = %scan3A_9 to %scan3A_11 step %scan3A_12 iter_args(%scan3A_20 = %scan3A) -> (i32)  : i32 {
      %get3A = arith.index_cast %scan3A_19 : i32 to index
      %get3A_21 = arith.constant 0 : index
      %get3A_22 = tpu.vector_load %arg5[%get3A, %get3A_21] {strides = array<i32>} : memref<128x64xf32, #tpu.memory_space<vmem>>, vector<16xf32>,
      %add3A_23 = arith.constant 0 : i32
      %add3A_24 = vector.broadcast %add3A_23 : i32 to vector<16xi32>
      %add3A_25 = arith.addi %iota3A, %add3A_24 : vector<16xi32>
      %masked_sort3A = arith.constant dense<true> : vector<16xi1>
      %masked_sort3A_26, %masked_sort3A_27, %masked_sort3A_28 = tpu.sort %get3A_22, %add3A_25 masked %masked_sort3A {descending = true} : (vector<16xf32>, vector<16xi32>, vector<16xi1>) -> (vector<16xi1>, vector<16xf32>, vector<16xi32>)
      %get3A_29 = arith.index_cast %scan3A_19 : i32 to index
      %get3A_30 = arith.constant 16 : index
      %get3A_31 = tpu.vector_load %arg5[%get3A_29, %get3A_30] {strides = array<i32>} : memref<128x64xf32, #tpu.memory_space<vmem>>, vector<16xf32>,
      %add3A_32 = arith.constant 16 : i32
      %add3A_33 = vector.broadcast %add3A_32 : i32 to vector<16xi32>
      %add3A_34 = arith.addi %iota3A, %add3A_33 : vector<16xi32>
      %masked_sort3A_35 = arith.constant dense<true> : vector<16xi1>
      %masked_sort3A_36, %masked_sort3A_37, %masked_sort3A_38 = tpu.sort %get3A_31, %add3A_34 masked %masked_sort3A_35 {descending = true} : (vector<16xf32>, vector<16xi32>, vector<16xi1>) -> (vector<16xi1>, vector<16xf32>, vector<16xi32>)
      %get3A_39 = arith.index_cast %scan3A_19 : i32 to index
      %get3A_40 = arith.constant 32 : index
      %get3A_41 = tpu.vector_load %arg5[%get3A_39, %get3A_40] {strides = array<i32>} : memref<128x64xf32, #tpu.memory_space<vmem>>, vector<16xf32>,
      %add3A_42 = arith.constant 32 : i32
      %add3A_43 = vector.broadcast %add3A_42 : i32 to vector<16xi32>
      %add3A_44 = arith.addi %iota3A, %add3A_43 : vector<16xi32>
      %masked_sort3A_45 = arith.constant dense<true> : vector<16xi1>
      %masked_sort3A_46, %masked_sort3A_47, %masked_sort3A_48 = tpu.sort %get3A_41, %add3A_44 masked %masked_sort3A_45 {descending = true} : (vector<16xf32>, vector<16xi32>, vector<16xi1>) -> (vector<16xi1>, vector<16xf32>, vector<16xi32>)
      %get3A_49 = arith.index_cast %scan3A_19 : i32 to index
      %get3A_50 = arith.constant 48 : index
      %get3A_51 = tpu.vector_load %arg5[%get3A_49, %get3A_50] {strides = array<i32>} : memref<128x64xf32, #tpu.memory_space<vmem>>, vector<16xf32>,
      %add3A_52 = arith.constant 48 : i32
      %add3A_53 = vector.broadcast %add3A_52 : i32 to vector<16xi32>
      %add3A_54 = arith.addi %iota3A, %add3A_53 : vector<16xi32>
      %masked_sort3A_55 = arith.constant dense<true> : vector<16xi1>
      %masked_sort3A_56, %masked_sort3A_57, %masked_sort3A_58 = tpu.sort %get3A_51, %add3A_54 masked %masked_sort3A_55 {descending = true} : (vector<16xf32>, vector<16xi32>, vector<16xi1>) -> (vector<16xi1>, vector<16xf32>, vector<16xi32>)
      %broadcast_in_dim3A = vector.shape_cast %max3A_6 : vector<16xi32> to vector<16x1xi32>
      %gather3A = vector.shape_cast %broadcast_in_dim3A : vector<16x1xi32> to vector<16xi32>
      %gather3A_59 = tpu.dynamic_gather %masked_sort3A_37[%gather3A] in [0] : vector<16xf32>, vector<16xi32> -> vector<16xf32>
      %select_n3A = arith.select %lt3A_8, %masked_sort3A_27, %gather3A_59 : vector<16xi1>, vector<16xf32>
      %broadcast_in_dim3A_60 = vector.shape_cast %max3A_6 : vector<16xi32> to vector<16x1xi32>
      %gather3A_61 = vector.shape_cast %broadcast_in_dim3A_60 : vector<16x1xi32> to vector<16xi32>
      %gather3A_62 = tpu.dynamic_gather %masked_sort3A_38[%gather3A_61] in [0] : vector<16xi32>, vector<16xi32> -> vector<16xi32>
      %select_n3A_63 = arith.select %lt3A_8, %masked_sort3A_28, %gather3A_62 : vector<16xi1>, vector<16xi32>
      %masked_sort3A_64 = arith.constant dense<true> : vector<16xi1>
      %masked_sort3A_65, %masked_sort3A_66, %masked_sort3A_67 = tpu.sort %select_n3A, %select_n3A_63 masked %masked_sort3A_64 {descending = true} : (vector<16xf32>, vector<16xi32>, vector<16xi1>) -> (vector<16xi1>, vector<16xf32>, vector<16xi32>)
      %broadcast_in_dim3A_68 = vector.shape_cast %max3A_6 : vector<16xi32> to vector<16x1xi32>
      %gather3A_69 = vector.shape_cast %broadcast_in_dim3A_68 : vector<16x1xi32> to vector<16xi32>
      %gather3A_70 = tpu.dynamic_gather %masked_sort3A_57[%gather3A_69] in [0] : vector<16xf32>, vector<16xi32> -> vector<16xf32>
      %select_n3A_71 = arith.select %lt3A_8, %masked_sort3A_47, %gather3A_70 : vector<16xi1>, vector<16xf32>
      %broadcast_in_dim3A_72 = vector.shape_cast %max3A_6 : vector<16xi32> to vector<16x1xi32>
      %gather3A_73 = vector.shape_cast %broadcast_in_dim3A_72 : vector<16x1xi32> to vector<16xi32>
      %gather3A_74 = tpu.dynamic_gather %masked_sort3A_58[%gather3A_73] in [0] : vector<16xi32>, vector<16xi32> -> vector<16xi32>
      %select_n3A_75 = arith.select %lt3A_8, %masked_sort3A_48, %gather3A_74 : vector<16xi1>, vector<16xi32>
      %masked_sort3A_76 = arith.constant dense<true> : vector<16xi1>
      %masked_sort3A_77, %masked_sort3A_78, %masked_sort3A_79 = tpu.sort %select_n3A_71, %select_n3A_75 masked %masked_sort3A_76 {descending = true} : (vector<16xf32>, vector<16xi32>, vector<16xi1>) -> (vector<16xi1>, vector<16xf32>, vector<16xi32>)
      %broadcast_in_dim3A_80 = vector.shape_cast %max3A_6 : vector<16xi32> to vector<16x1xi32>
      %gather3A_81 = vector.shape_cast %broadcast_in_dim3A_80 : vector<16x1xi32> to vector<16xi32>
      %gather3A_82 = tpu.dynamic_gather %masked_sort3A_78[%gather3A_81] in [0] : vector<16xf32>, vector<16xi32> -> vector<16xf32>
      %select_n3A_83 = arith.select %lt3A_8, %masked_sort3A_66, %gather3A_82 : vector<16xi1>, vector<16xf32>
      %broadcast_in_dim3A_84 = vector.shape_cast %max3A_6 : vector<16xi32> to vector<16x1xi32>
      %gather3A_85 = vector.shape_cast %broadcast_in_dim3A_84 : vector<16x1xi32> to vector<16xi32>
      %gather3A_86 = tpu.dynamic_gather %masked_sort3A_79[%gather3A_85] in [0] : vector<16xi32>, vector<16xi32> -> vector<16xi32>
      %select_n3A_87 = arith.select %lt3A_8, %masked_sort3A_67, %gather3A_86 : vector<16xi1>, vector<16xi32>
      %masked_sort3A_88 = arith.constant dense<true> : vector<16xi1>
      %masked_sort3A_89, %masked_sort3A_90, %masked_sort3A_91 = tpu.sort %select_n3A_83, %select_n3A_87 masked %masked_sort3A_88 {descending = true} : (vector<16xf32>, vector<16xi32>, vector<16xi1>) -> (vector<16xi1>, vector<16xf32>, vector<16xi32>)
      %reduce_max3A = arith.constant true
      %reduce_max3A_92 = vector.broadcast %reduce_max3A : i1 to vector<16xi1>
      %reduce_max3A_93 = tpu.scan <max>, %masked_sort3A_90 masked %reduce_max3A_92 : vector<16xf32>, vector<16xi1> -> vector<16xf32>
      %reduce_max3A_94 = vector.extract %reduce_max3A_93[15] : f32 from vector<16xf32>
      %sub3A_95 = vector.broadcast %reduce_max3A_94 : f32 to vector<16xf32>
      %sub3A_96 = arith.subf %masked_sort3A_90, %sub3A_95 : vector<16xf32>
      %exp3A = math.exp %sub3A_96 : vector<16xf32>
      %jit3A = arith.constant 0.000000e+00 : f32
      %broadcast_in_dim3A_97 = vector.broadcast %jit3A : f32 to vector<16xf32>
      %select_n3A_98 = arith.select %lt3A_8, %exp3A, %broadcast_in_dim3A_97 : vector<16xi1>, vector<16xf32>
      %reduce_sum3A = arith.constant true
      %reduce_sum3A_99 = vector.broadcast %reduce_sum3A : i1 to vector<16xi1>
      %reduce_sum3A_100 = tpu.scan <sum>, %select_n3A_98 masked %reduce_sum3A_99 : vector<16xf32>, vector<16xi1> -> vector<16xf32>
      %reduce_sum3A_101 = vector.extract %reduce_sum3A_100[15] : f32 from vector<16xf32>
      %broadcast_in_dim3A_102 = vector.broadcast %reduce_sum3A_101 : f32 to vector<16xf32>
      %div3A = arith.divf %select_n3A_98, %broadcast_in_dim3A_102 : vector<16xf32>
      %mul3A_103 = arith.constant 8 : i32
      %mul3A_104 = arith.muli %scan3A_19, %mul3A_103 : i32
      %swap3A = arith.index_cast %mul3A_104 : i32 to index
      %swap3A_105 = tpu.vector_load %arg6[%swap3A] {strides = array<i32>} : memref<1032xf32, #tpu.memory_space<vmem>>, vector<16xf32>,
      tpu.vector_store %arg6[%swap3A], %div3A {strides = array<i32>} : memref<1032xf32, #tpu.memory_space<vmem>>, vector<16xf32>,
      %mul3A_106 = arith.constant 8 : i32
      %mul3A_107 = arith.muli %scan3A_19, %mul3A_106 : i32
      %swap3A_108 = arith.index_cast %mul3A_107 : i32 to index
      %swap3A_109 = tpu.vector_load %arg7[%swap3A_108] {strides = array<i32>} : memref<1032xi32, #tpu.memory_space<vmem>>, vector<16xi32>,
      tpu.vector_store %arg7[%swap3A_108], %masked_sort3A_91 {strides = array<i32>} : memref<1032xi32, #tpu.memory_space<vmem>>, vector<16xi32>,
      %scan3A_110 = arith.constant 0 : i32
      scf.yield %scan3A_110 : i32
    }
    %scan3A_14 = arith.constant 128 : i32
    %mul3A_15 = arith.constant 8 : i32
    %mul3A_16 = arith.muli %mul3A_2, %mul3A_15 : i32
    "tpu.region"() ({
      %run_scoped3A = tpu.sem_alloc : memref<!tpu.dma_semaphore, #tpu.memory_space<semaphore_mem>>
      %dma_start3A = arith.constant 0 : i32
      %dma_start3A_19 = tpu.memref_slice %arg6[%dma_start3A] : memref<1032xf32, #tpu.memory_space<vmem>> -> memref<1024xf32, #tpu.memory_space<vmem>>
      %dma_start3A_20 = tpu.memref_slice %arg3[%mul3A_16] : memref<32768xf32, #tpu.memory_space<hbm>> -> memref<1024xf32, #tpu.memory_space<hbm>>
      %dma_start3A_21 = tpu.memref_slice %arg3[%mul3A_16] : memref<32768xf32, #tpu.memory_space<hbm>> -> memref<1024xf32, #tpu.memory_space<hbm>>
      %dma_start3A_22 = arith.constant 0 : i32
      %dma_start3A_23 = tpu.memref_slice %arg6[%dma_start3A_22] : memref<1032xf32, #tpu.memory_space<vmem>> -> memref<1024xf32, #tpu.memory_space<vmem>>
      tpu.enqueue_dma source(%dma_start3A_23 : memref<1024xf32, #tpu.memory_space<vmem>>) target(%dma_start3A_21 : memref<1024xf32, #tpu.memory_space<hbm>>) target_semaphore(%run_scoped3A : memref<!tpu.dma_semaphore, #tpu.memory_space<semaphore_mem>>)
      %dma_wait3A = arith.constant 0 : i32
      %dma_wait3A_24 = tpu.memref_slice %arg6[%dma_wait3A] : memref<1032xf32, #tpu.memory_space<vmem>> -> memref<1024xf32, #tpu.memory_space<vmem>>
      %dma_wait3A_25 = tpu.memref_slice %arg3[%mul3A_16] : memref<32768xf32, #tpu.memory_space<hbm>> -> memref<1024xf32, #tpu.memory_space<hbm>>
      %dma_wait3A_26 = tpu.memref_slice %arg3[%mul3A_16] : memref<32768xf32, #tpu.memory_space<hbm>> -> memref<1024xf32, #tpu.memory_space<hbm>>
      %dma_wait3A_27 = arith.constant 0 : i32
      %dma_wait3A_28 = tpu.memref_slice %arg6[%dma_wait3A_27] : memref<1032xf32, #tpu.memory_space<vmem>> -> memref<1024xf32, #tpu.memory_space<vmem>>
      tpu.wait_dma2 semaphore(%run_scoped3A : memref<!tpu.dma_semaphore, #tpu.memory_space<semaphore_mem>>) src(%dma_wait3A_28 : memref<1024xf32, #tpu.memory_space<vmem>>) dst(%dma_wait3A_26 : memref<1024xf32, #tpu.memory_space<hbm>>)
      tpu.yield
    }) : () -> ()
    %mul3A_17 = arith.constant 8 : i32
    %mul3A_18 = arith.muli %mul3A_2, %mul3A_17 : i32
    "tpu.region"() ({
      %run_scoped3A = tpu.sem_alloc : memref<!tpu.dma_semaphore, #tpu.memory_space<semaphore_mem>>
      %dma_start3A = arith.constant 0 : i32
      %dma_start3A_19 = tpu.memref_slice %arg7[%dma_start3A] : memref<1032xi32, #tpu.memory_space<vmem>> -> memref<1024xi32, #tpu.memory_space<vmem>>
      %dma_start3A_20 = tpu.memref_slice %arg4[%mul3A_18] : memref<32768xi32, #tpu.memory_space<hbm>> -> memref<1024xi32, #tpu.memory_space<hbm>>
      %dma_start3A_21 = tpu.memref_slice %arg4[%mul3A_18] : memref<32768xi32, #tpu.memory_space<hbm>> -> memref<1024xi32, #tpu.memory_space<hbm>>
      %dma_start3A_22 = arith.constant 0 : i32
      %dma_start3A_23 = tpu.memref_slice %arg7[%dma_start3A_22] : memref<1032xi32, #tpu.memory_space<vmem>> -> memref<1024xi32, #tpu.memory_space<vmem>>
      tpu.enqueue_dma source(%dma_start3A_23 : memref<1024xi32, #tpu.memory_space<vmem>>) target(%dma_start3A_21 : memref<1024xi32, #tpu.memory_space<hbm>>) target_semaphore(%run_scoped3A : memref<!tpu.dma_semaphore, #tpu.memory_space<semaphore_mem>>)
      %dma_wait3A = arith.constant 0 : i32
      %dma_wait3A_24 = tpu.memref_slice %arg7[%dma_wait3A] : memref<1032xi32, #tpu.memory_space<vmem>> -> memref<1024xi32, #tpu.memory_space<vmem>>
      %dma_wait3A_25 = tpu.memref_slice %arg4[%mul3A_18] : memref<32768xi32, #tpu.memory_space<hbm>> -> memref<1024xi32, #tpu.memory_space<hbm>>
      %dma_wait3A_26 = tpu.memref_slice %arg4[%mul3A_18] : memref<32768xi32, #tpu.memory_space<hbm>> -> memref<1024xi32, #tpu.memory_space<hbm>>
      %dma_wait3A_27 = arith.constant 0 : i32
      %dma_wait3A_28 = tpu.memref_slice %arg7[%dma_wait3A_27] : memref<1032xi32, #tpu.memory_space<vmem>> -> memref<1024xi32, #tpu.memory_space<vmem>>
      tpu.wait_dma2 semaphore(%run_scoped3A : memref<!tpu.dma_semaphore, #tpu.memory_space<semaphore_mem>>) src(%dma_wait3A_28 : memref<1024xi32, #tpu.memory_space<vmem>>) dst(%dma_wait3A_26 : memref<1024xi32, #tpu.memory_space<hbm>>)
      tpu.yield
    }) : () -> ()
    return
  }
}

#map = affine_map<(d0, d1) -> (0, 0)>
#map1 = affine_map<(d0, d1) -> (0)>
module attributes {stable_mosaic.version = 14 : i64} {
  func.func @k(%arg0: i32, %arg1: i32, %arg2: memref<4096x64xf32, #tpu.memory_space<hbm>>, %arg3: memref<32768xf32, #tpu.memory_space<hbm>>, %arg4: memref<32768xi32, #tpu.memory_space<hbm>>, %arg5: memref<128x64xf32, #tpu.memory_space<vmem>>, %arg6: memref<1032xf32, #tpu.memory_space<vmem>>, %arg7: memref<1032xi32, #tpu.memory_space<vmem>>) attributes {dimension_semantics = [#tpu.dimension_semantics<core_parallel>, #tpu.dimension_semantics<subcore_parallel>], iteration_bounds = array<i64: 2, 16>, scalar_prefetch = 0 : i64, scratch_operands = 3 : i64, tpu.core_type = #tpu.core_type<sc_vector_subcore>, window_params = [{transform_indices = #map}, {transform_indices = #map1}, {transform_indices = #map1}]} {
    %mul3A = arith.constant 2 : i32
    %mul3A_0 = arith.muli %arg1, %mul3A : i32
    %add3A = arith.addi %mul3A_0, %arg0 : i32
    %mul3A_1 = arith.constant 128 : i32
    %mul3A_2 = arith.muli %add3A, %mul3A_1 : i32
    "tpu.region"() ({
      %run_scoped3A = tpu.sem_alloc : memref<!tpu.dma_semaphore, #tpu.memory_space<semaphore_mem>>
      %dma_start3A = arith.constant 0 : i32
      %dma_start3A_19 = tpu.memref_slice %arg2[%mul3A_2, %dma_start3A] : memref<4096x64xf32, #tpu.memory_space<hbm>> -> memref<128x64xf32, #tpu.memory_space<hbm>>
      %dma_start3A_20 = arith.constant 0 : i32
      %dma_start3A_21 = tpu.memref_slice %arg2[%mul3A_2, %dma_start3A_20] : memref<4096x64xf32, #tpu.memory_space<hbm>> -> memref<128x64xf32, #tpu.memory_space<hbm>>
      tpu.enqueue_dma source(%dma_start3A_21 : memref<128x64xf32, #tpu.memory_space<hbm>>) target(%arg5 : memref<128x64xf32, #tpu.memory_space<vmem>>) target_semaphore(%run_scoped3A : memref<!tpu.dma_semaphore, #tpu.memory_space<semaphore_mem>>)
      %dma_wait3A = arith.constant 0 : i32
      %dma_wait3A_22 = tpu.memref_slice %arg2[%mul3A_2, %dma_wait3A] : memref<4096x64xf32, #tpu.memory_space<hbm>> -> memref<128x64xf32, #tpu.memory_space<hbm>>
      %dma_wait3A_23 = arith.constant 0 : i32
      %dma_wait3A_24 = tpu.memref_slice %arg2[%mul3A_2, %dma_wait3A_23] : memref<4096x64xf32, #tpu.memory_space<hbm>> -> memref<128x64xf32, #tpu.memory_space<hbm>>
      tpu.wait_dma2 semaphore(%run_scoped3A : memref<!tpu.dma_semaphore, #tpu.memory_space<semaphore_mem>>) src(%dma_wait3A_24 : memref<128x64xf32, #tpu.memory_space<hbm>>) dst(%arg5 : memref<128x64xf32, #tpu.memory_space<vmem>>)
      tpu.yield
    }) : () -> ()
    %iota3A = tpu.iota {dimensions = array<i32: 0>} : vector<16xi32>
    %sub3A = arith.constant 8 : i32
    %sub3A_3 = vector.broadcast %sub3A : i32 to vector<16xi32>
    %sub3A_4 = arith.subi %iota3A, %sub3A_3 : vector<16xi32>
    %max3A = arith.constant 0 : i32
    %max3A_5 = vector.broadcast %max3A : i32 to vector<16xi32>
    %max3A_6 = arith.maxsi %sub3A_4, %max3A_5 : vector<16xi32>
    %lt3A = arith.constant 8 : i32
    %lt3A_7 = vector.broadcast %lt3A : i32 to vector<16xi32>
    %lt3A_8 = arith.cmpi slt, %iota3A, %lt3A_7 : vector<16xi32>
    %scan3A = arith.constant 0 : i32
    %scan3A_9 = arith.constant 0 : i32
    %scan3A_10 = arith.constant 128 : i32
    %scan3A_11 = arith.addi %scan3A_9, %scan3A_10 : i32
    %scan3A_12 = arith.constant 1 : i32
    %scan3A_13 = scf.for %scan3A_19 = %scan3A_9 to %scan3A_11 step %scan3A_12 iter_args(%scan3A_20 = %scan3A) -> (i32)  : i32 {
      %get3A = arith.index_cast %scan3A_19 : i32 to index
      %get3A_21 = arith.constant 0 : index
      %get3A_22 = tpu.vector_load %arg5[%get3A, %get3A_21] {strides = array<i32>} : memref<128x64xf32, #tpu.memory_space<vmem>>, vector<16xf32>,
      %add3A_23 = arith.constant 0 : i32
      %add3A_24 = vector.broadcast %add3A_23 : i32 to vector<16xi32>
      %add3A_25 = arith.addi %iota3A, %add3A_24 : vector<16xi32>
      %masked_sort3A = arith.constant dense<true> : vector<16xi1>
      %masked_sort3A_26, %masked_sort3A_27, %masked_sort3A_28 = tpu.sort %get3A_22, %add3A_25 masked %masked_sort3A {descending = true} : (vector<16xf32>, vector<16xi32>, vector<16xi1>) -> (vector<16xi1>, vector<16xf32>, vector<16xi32>)
      %get3A_29 = arith.index_cast %scan3A_19 : i32 to index
      %get3A_30 = arith.constant 16 : index
      %get3A_31 = tpu.vector_load %arg5[%get3A_29, %get3A_30] {strides = array<i32>} : memref<128x64xf32, #tpu.memory_space<vmem>>, vector<16xf32>,
      %add3A_32 = arith.constant 16 : i32
      %add3A_33 = vector.broadcast %add3A_32 : i32 to vector<16xi32>
      %add3A_34 = arith.addi %iota3A, %add3A_33 : vector<16xi32>
      %masked_sort3A_35 = arith.constant dense<true> : vector<16xi1>
      %masked_sort3A_36, %masked_sort3A_37, %masked_sort3A_38 = tpu.sort %get3A_31, %add3A_34 masked %masked_sort3A_35 {descending = true} : (vector<16xf32>, vector<16xi32>, vector<16xi1>) -> (vector<16xi1>, vector<16xf32>, vector<16xi32>)
      %get3A_39 = arith.index_cast %scan3A_19 : i32 to index
      %get3A_40 = arith.constant 32 : index
      %get3A_41 = tpu.vector_load %arg5[%get3A_39, %get3A_40] {strides = array<i32>} : memref<128x64xf32, #tpu.memory_space<vmem>>, vector<16xf32>,
      %add3A_42 = arith.constant 32 : i32
      %add3A_43 = vector.broadcast %add3A_42 : i32 to vector<16xi32>
      %add3A_44 = arith.addi %iota3A, %add3A_43 : vector<16xi32>
      %masked_sort3A_45 = arith.constant dense<true> : vector<16xi1>
      %masked_sort3A_46, %masked_sort3A_47, %masked_sort3A_48 = tpu.sort %get3A_41, %add3A_44 masked %masked_sort3A_45 {descending = true} : (vector<16xf32>, vector<16xi32>, vector<16xi1>) -> (vector<16xi1>, vector<16xf32>, vector<16xi32>)
      %get3A_49 = arith.index_cast %scan3A_19 : i32 to index
      %get3A_50 = arith.constant 48 : index
      %get3A_51 = tpu.vector_load %arg5[%get3A_49, %get3A_50] {strides = array<i32>} : memref<128x64xf32, #tpu.memory_space<vmem>>, vector<16xf32>,
      %add3A_52 = arith.constant 48 : i32
      %add3A_53 = vector.broadcast %add3A_52 : i32 to vector<16xi32>
      %add3A_54 = arith.addi %iota3A, %add3A_53 : vector<16xi32>
      %masked_sort3A_55 = arith.constant dense<true> : vector<16xi1>
      %masked_sort3A_56, %masked_sort3A_57, %masked_sort3A_58 = tpu.sort %get3A_51, %add3A_54 masked %masked_sort3A_55 {descending = true} : (vector<16xf32>, vector<16xi32>, vector<16xi1>) -> (vector<16xi1>, vector<16xf32>, vector<16xi32>)
      %broadcast_in_dim3A = vector.shape_cast %max3A_6 : vector<16xi32> to vector<16x1xi32>
      %gather3A = vector.shape_cast %broadcast_in_dim3A : vector<16x1xi32> to vector<16xi32>
      %gather3A_59 = tpu.dynamic_gather %masked_sort3A_37[%gather3A] in [0] : vector<16xf32>, vector<16xi32> -> vector<16xf32>
      %select_n3A = arith.select %lt3A_8, %masked_sort3A_27, %gather3A_59 : vector<16xi1>, vector<16xf32>
      %broadcast_in_dim3A_60 = vector.shape_cast %max3A_6 : vector<16xi32> to vector<16x1xi32>
      %gather3A_61 = vector.shape_cast %broadcast_in_dim3A_60 : vector<16x1xi32> to vector<16xi32>
      %gather3A_62 = tpu.dynamic_gather %masked_sort3A_38[%gather3A_61] in [0] : vector<16xi32>, vector<16xi32> -> vector<16xi32>
      %select_n3A_63 = arith.select %lt3A_8, %masked_sort3A_28, %gather3A_62 : vector<16xi1>, vector<16xi32>
      %masked_sort3A_64 = arith.constant dense<true> : vector<16xi1>
      %masked_sort3A_65, %masked_sort3A_66, %masked_sort3A_67 = tpu.sort %select_n3A, %select_n3A_63 masked %masked_sort3A_64 {descending = true} : (vector<16xf32>, vector<16xi32>, vector<16xi1>) -> (vector<16xi1>, vector<16xf32>, vector<16xi32>)
      %broadcast_in_dim3A_68 = vector.shape_cast %max3A_6 : vector<16xi32> to vector<16x1xi32>
      %gather3A_69 = vector.shape_cast %broadcast_in_dim3A_68 : vector<16x1xi32> to vector<16xi32>
      %gather3A_70 = tpu.dynamic_gather %masked_sort3A_57[%gather3A_69] in [0] : vector<16xf32>, vector<16xi32> -> vector<16xf32>
      %select_n3A_71 = arith.select %lt3A_8, %masked_sort3A_47, %gather3A_70 : vector<16xi1>, vector<16xf32>
      %broadcast_in_dim3A_72 = vector.shape_cast %max3A_6 : vector<16xi32> to vector<16x1xi32>
      %gather3A_73 = vector.shape_cast %broadcast_in_dim3A_72 : vector<16x1xi32> to vector<16xi32>
      %gather3A_74 = tpu.dynamic_gather %masked_sort3A_58[%gather3A_73] in [0] : vector<16xi32>, vector<16xi32> -> vector<16xi32>
      %select_n3A_75 = arith.select %lt3A_8, %masked_sort3A_48, %gather3A_74 : vector<16xi1>, vector<16xi32>
      %masked_sort3A_76 = arith.constant dense<true> : vector<16xi1>
      %masked_sort3A_77, %masked_sort3A_78, %masked_sort3A_79 = tpu.sort %select_n3A_71, %select_n3A_75 masked %masked_sort3A_76 {descending = true} : (vector<16xf32>, vector<16xi32>, vector<16xi1>) -> (vector<16xi1>, vector<16xf32>, vector<16xi32>)
      %broadcast_in_dim3A_80 = vector.shape_cast %max3A_6 : vector<16xi32> to vector<16x1xi32>
      %gather3A_81 = vector.shape_cast %broadcast_in_dim3A_80 : vector<16x1xi32> to vector<16xi32>
      %gather3A_82 = tpu.dynamic_gather %masked_sort3A_78[%gather3A_81] in [0] : vector<16xf32>, vector<16xi32> -> vector<16xf32>
      %select_n3A_83 = arith.select %lt3A_8, %masked_sort3A_66, %gather3A_82 : vector<16xi1>, vector<16xf32>
      %broadcast_in_dim3A_84 = vector.shape_cast %max3A_6 : vector<16xi32> to vector<16x1xi32>
      %gather3A_85 = vector.shape_cast %broadcast_in_dim3A_84 : vector<16x1xi32> to vector<16xi32>
      %gather3A_86 = tpu.dynamic_gather %masked_sort3A_79[%gather3A_85] in [0] : vector<16xi32>, vector<16xi32> -> vector<16xi32>
      %select_n3A_87 = arith.select %lt3A_8, %masked_sort3A_67, %gather3A_86 : vector<16xi1>, vector<16xi32>
      %masked_sort3A_88 = arith.constant dense<true> : vector<16xi1>
      %masked_sort3A_89, %masked_sort3A_90, %masked_sort3A_91 = tpu.sort %select_n3A_83, %select_n3A_87 masked %masked_sort3A_88 {descending = true} : (vector<16xf32>, vector<16xi32>, vector<16xi1>) -> (vector<16xi1>, vector<16xf32>, vector<16xi32>)
      %reduce_max3A = arith.constant true
      %reduce_max3A_92 = vector.broadcast %reduce_max3A : i1 to vector<16xi1>
      %reduce_max3A_93 = tpu.scan <max>, %masked_sort3A_90 masked %reduce_max3A_92 : vector<16xf32>, vector<16xi1> -> vector<16xf32>
      %reduce_max3A_94 = vector.extract %reduce_max3A_93[15] : f32 from vector<16xf32>
      %sub3A_95 = vector.broadcast %reduce_max3A_94 : f32 to vector<16xf32>
      %sub3A_96 = arith.subf %masked_sort3A_90, %sub3A_95 : vector<16xf32>
      %exp3A = math.exp %sub3A_96 : vector<16xf32>
      %jit3A = arith.constant 0.000000e+00 : f32
      %broadcast_in_dim3A_97 = vector.broadcast %jit3A : f32 to vector<16xf32>
      %select_n3A_98 = arith.select %lt3A_8, %exp3A, %broadcast_in_dim3A_97 : vector<16xi1>, vector<16xf32>
      %reduce_sum3A = arith.constant true
      %reduce_sum3A_99 = vector.broadcast %reduce_sum3A : i1 to vector<16xi1>
      %reduce_sum3A_100 = tpu.scan <sum>, %select_n3A_98 masked %reduce_sum3A_99 : vector<16xf32>, vector<16xi1> -> vector<16xf32>
      %reduce_sum3A_101 = vector.extract %reduce_sum3A_100[15] : f32 from vector<16xf32>
      %broadcast_in_dim3A_102 = vector.broadcast %reduce_sum3A_101 : f32 to vector<16xf32>
      %div3A = arith.divf %select_n3A_98, %broadcast_in_dim3A_102 : vector<16xf32>
      %mul3A_103 = arith.constant 8 : i32
      %mul3A_104 = arith.muli %scan3A_19, %mul3A_103 : i32
      %swap3A = arith.index_cast %mul3A_104 : i32 to index
      %swap3A_105 = tpu.vector_load %arg6[%swap3A] {strides = array<i32>} : memref<1032xf32, #tpu.memory_space<vmem>>, vector<16xf32>,
      tpu.vector_store %arg6[%swap3A], %div3A {strides = array<i32>} : memref<1032xf32, #tpu.memory_space<vmem>>, vector<16xf32>,
      %mul3A_106 = arith.constant 8 : i32
      %mul3A_107 = arith.muli %scan3A_19, %mul3A_106 : i32
      %swap3A_108 = arith.index_cast %mul3A_107 : i32 to index
      %swap3A_109 = tpu.vector_load %arg7[%swap3A_108] {strides = array<i32>} : memref<1032xi32, #tpu.memory_space<vmem>>, vector<16xi32>,
      tpu.vector_store %arg7[%swap3A_108], %masked_sort3A_91 {strides = array<i32>} : memref<1032xi32, #tpu.memory_space<vmem>>, vector<16xi32>,
      %scan3A_110 = arith.constant 0 : i32
      scf.yield %scan3A_110 : i32
    }
    %scan3A_14 = arith.constant 128 : i32
    %mul3A_15 = arith.constant 8 : i32
    %mul3A_16 = arith.muli %mul3A_2, %mul3A_15 : i32
    "tpu.region"() ({
      %run_scoped3A = tpu.sem_alloc : memref<!tpu.dma_semaphore, #tpu.memory_space<semaphore_mem>>
      %dma_start3A = arith.constant 0 : i32
      %dma_start3A_19 = tpu.memref_slice %arg6[%dma_start3A] : memref<1032xf32, #tpu.memory_space<vmem>> -> memref<1024xf32, #tpu.memory_space<vmem>>
      %dma_start3A_20 = tpu.memref_slice %arg3[%mul3A_16] : memref<32768xf32, #tpu.memory_space<hbm>> -> memref<1024xf32, #tpu.memory_space<hbm>>
      %dma_start3A_21 = tpu.memref_slice %arg3[%mul3A_16] : memref<32768xf32, #tpu.memory_space<hbm>> -> memref<1024xf32, #tpu.memory_space<hbm>>
      %dma_start3A_22 = arith.constant 0 : i32
      %dma_start3A_23 = tpu.memref_slice %arg6[%dma_start3A_22] : memref<1032xf32, #tpu.memory_space<vmem>> -> memref<1024xf32, #tpu.memory_space<vmem>>
      tpu.enqueue_dma source(%dma_start3A_23 : memref<1024xf32, #tpu.memory_space<vmem>>) target(%dma_start3A_21 : memref<1024xf32, #tpu.memory_space<hbm>>) target_semaphore(%run_scoped3A : memref<!tpu.dma_semaphore, #tpu.memory_space<semaphore_mem>>)
      %dma_wait3A = arith.constant 0 : i32
      %dma_wait3A_24 = tpu.memref_slice %arg6[%dma_wait3A] : memref<1032xf32, #tpu.memory_space<vmem>> -> memref<1024xf32, #tpu.memory_space<vmem>>
      %dma_wait3A_25 = tpu.memref_slice %arg3[%mul3A_16] : memref<32768xf32, #tpu.memory_space<hbm>> -> memref<1024xf32, #tpu.memory_space<hbm>>
      %dma_wait3A_26 = tpu.memref_slice %arg3[%mul3A_16] : memref<32768xf32, #tpu.memory_space<hbm>> -> memref<1024xf32, #tpu.memory_space<hbm>>
      %dma_wait3A_27 = arith.constant 0 : i32
      %dma_wait3A_28 = tpu.memref_slice %arg6[%dma_wait3A_27] : memref<1032xf32, #tpu.memory_space<vmem>> -> memref<1024xf32, #tpu.memory_space<vmem>>
      tpu.wait_dma2 semaphore(%run_scoped3A : memref<!tpu.dma_semaphore, #tpu.memory_space<semaphore_mem>>) src(%dma_wait3A_28 : memref<1024xf32, #tpu.memory_space<vmem>>) dst(%dma_wait3A_26 : memref<1024xf32, #tpu.memory_space<hbm>>)
      tpu.yield
    }) : () -> ()
    %mul3A_17 = arith.constant 8 : i32
    %mul3A_18 = arith.muli %mul3A_2, %mul3A_17 : i32
    "tpu.region"() ({
      %run_scoped3A = tpu.sem_alloc : memref<!tpu.dma_semaphore, #tpu.memory_space<semaphore_mem>>
      %dma_start3A = arith.constant 0 : i32
      %dma_start3A_19 = tpu.memref_slice %arg7[%dma_start3A] : memref<1032xi32, #tpu.memory_space<vmem>> -> memref<1024xi32, #tpu.memory_space<vmem>>
      %dma_start3A_20 = tpu.memref_slice %arg4[%mul3A_18] : memref<32768xi32, #tpu.memory_space<hbm>> -> memref<1024xi32, #tpu.memory_space<hbm>>
      %dma_start3A_21 = tpu.memref_slice %arg4[%mul3A_18] : memref<32768xi32, #tpu.memory_space<hbm>> -> memref<1024xi32, #tpu.memory_space<hbm>>
      %dma_start3A_22 = arith.constant 0 : i32
      %dma_start3A_23 = tpu.memref_slice %arg7[%dma_start3A_22] : memref<1032xi32, #tpu.memory_space<vmem>> -> memref<1024xi32, #tpu.memory_space<vmem>>
      tpu.enqueue_dma source(%dma_start3A_23 : memref<1024xi32, #tpu.memory_space<vmem>>) target(%dma_start3A_21 : memref<1024xi32, #tpu.memory_space<hbm>>) target_semaphore(%run_scoped3A : memref<!tpu.dma_semaphore, #tpu.memory_space<semaphore_mem>>)
      %dma_wait3A = arith.constant 0 : i32
      %dma_wait3A_24 = tpu.memref_slice %arg7[%dma_wait3A] : memref<1032xi32, #tpu.memory_space<vmem>> -> memref<1024xi32, #tpu.memory_space<vmem>>
      %dma_wait3A_25 = tpu.memref_slice %arg4[%mul3A_18] : memref<32768xi32, #tpu.memory_space<hbm>> -> memref<1024xi32, #tpu.memory_space<hbm>>
      %dma_wait3A_26 = tpu.memref_slice %arg4[%mul3A_18] : memref<32768xi32, #tpu.memory_space<hbm>> -> memref<1024xi32, #tpu.memory_space<hbm>>
      %dma_wait3A_27 = arith.constant 0 : i32
      %dma_wait3A_28 = tpu.memref_slice %arg7[%dma_wait3A_27] : memref<1032xi32, #tpu.memory_space<vmem>> -> memref<1024xi32, #tpu.memory_space<vmem>>
      tpu.wait_dma2 semaphore(%run_scoped3A : memref<!tpu.dma_semaphore, #tpu.memory_space<semaphore_mem>>) src(%dma_wait3A_28 : memref<1024xi32, #tpu.memory_space<vmem>>) dst(%dma_wait3A_26 : memref<1024xi32, #tpu.memory_space<hbm>>)
      tpu.yield
    }) : () -> ()
    return
  }
}

#map = affine_map<(d0, d1) -> (0, 0)>
#map1 = affine_map<(d0, d1) -> (0)>
module attributes {stable_mosaic.version = 14 : i64} {
  func.func @k(%arg0: i32, %arg1: i32, %arg2: memref<4096x64xf32, #tpu.memory_space<hbm>>, %arg3: memref<32768xf32, #tpu.memory_space<hbm>>, %arg4: memref<32768xi32, #tpu.memory_space<hbm>>, %arg5: memref<128x64xf32, #tpu.memory_space<vmem>>, %arg6: memref<1032xf32, #tpu.memory_space<vmem>>, %arg7: memref<1032xi32, #tpu.memory_space<vmem>>) attributes {dimension_semantics = [#tpu.dimension_semantics<core_parallel>, #tpu.dimension_semantics<subcore_parallel>], iteration_bounds = array<i64: 2, 16>, scalar_prefetch = 0 : i64, scratch_operands = 3 : i64, tpu.core_type = #tpu.core_type<sc_vector_subcore>, window_params = [{transform_indices = #map}, {transform_indices = #map1}, {transform_indices = #map1}]} {
    %mul3A = arith.constant 2 : i32
    %mul3A_0 = arith.muli %arg1, %mul3A : i32
    %add3A = arith.addi %mul3A_0, %arg0 : i32
    %mul3A_1 = arith.constant 128 : i32
    %mul3A_2 = arith.muli %add3A, %mul3A_1 : i32
    "tpu.region"() ({
      %run_scoped3A = tpu.sem_alloc : memref<!tpu.dma_semaphore, #tpu.memory_space<semaphore_mem>>
      %dma_start3A = arith.constant 0 : i32
      %dma_start3A_19 = tpu.memref_slice %arg2[%mul3A_2, %dma_start3A] : memref<4096x64xf32, #tpu.memory_space<hbm>> -> memref<128x64xf32, #tpu.memory_space<hbm>>
      %dma_start3A_20 = arith.constant 0 : i32
      %dma_start3A_21 = tpu.memref_slice %arg2[%mul3A_2, %dma_start3A_20] : memref<4096x64xf32, #tpu.memory_space<hbm>> -> memref<128x64xf32, #tpu.memory_space<hbm>>
      tpu.enqueue_dma source(%dma_start3A_21 : memref<128x64xf32, #tpu.memory_space<hbm>>) target(%arg5 : memref<128x64xf32, #tpu.memory_space<vmem>>) target_semaphore(%run_scoped3A : memref<!tpu.dma_semaphore, #tpu.memory_space<semaphore_mem>>)
      %dma_wait3A = arith.constant 0 : i32
      %dma_wait3A_22 = tpu.memref_slice %arg2[%mul3A_2, %dma_wait3A] : memref<4096x64xf32, #tpu.memory_space<hbm>> -> memref<128x64xf32, #tpu.memory_space<hbm>>
      %dma_wait3A_23 = arith.constant 0 : i32
      %dma_wait3A_24 = tpu.memref_slice %arg2[%mul3A_2, %dma_wait3A_23] : memref<4096x64xf32, #tpu.memory_space<hbm>> -> memref<128x64xf32, #tpu.memory_space<hbm>>
      tpu.wait_dma2 semaphore(%run_scoped3A : memref<!tpu.dma_semaphore, #tpu.memory_space<semaphore_mem>>) src(%dma_wait3A_24 : memref<128x64xf32, #tpu.memory_space<hbm>>) dst(%arg5 : memref<128x64xf32, #tpu.memory_space<vmem>>)
      tpu.yield
    }) : () -> ()
    %iota3A = tpu.iota {dimensions = array<i32: 0>} : vector<16xi32>
    %sub3A = arith.constant 8 : i32
    %sub3A_3 = vector.broadcast %sub3A : i32 to vector<16xi32>
    %sub3A_4 = arith.subi %iota3A, %sub3A_3 : vector<16xi32>
    %max3A = arith.constant 0 : i32
    %max3A_5 = vector.broadcast %max3A : i32 to vector<16xi32>
    %max3A_6 = arith.maxsi %sub3A_4, %max3A_5 : vector<16xi32>
    %lt3A = arith.constant 8 : i32
    %lt3A_7 = vector.broadcast %lt3A : i32 to vector<16xi32>
    %lt3A_8 = arith.cmpi slt, %iota3A, %lt3A_7 : vector<16xi32>
    %scan3A = arith.constant 0 : i32
    %scan3A_9 = arith.constant 0 : i32
    %scan3A_10 = arith.constant 128 : i32
    %scan3A_11 = arith.addi %scan3A_9, %scan3A_10 : i32
    %scan3A_12 = arith.constant 1 : i32
    %scan3A_13 = scf.for %scan3A_19 = %scan3A_9 to %scan3A_11 step %scan3A_12 iter_args(%scan3A_20 = %scan3A) -> (i32)  : i32 {
      %get3A = arith.index_cast %scan3A_19 : i32 to index
      %get3A_21 = arith.constant 0 : index
      %get3A_22 = tpu.vector_load %arg5[%get3A, %get3A_21] {strides = array<i32>} : memref<128x64xf32, #tpu.memory_space<vmem>>, vector<16xf32>,
      %add3A_23 = arith.constant 0 : i32
      %add3A_24 = vector.broadcast %add3A_23 : i32 to vector<16xi32>
      %add3A_25 = arith.addi %iota3A, %add3A_24 : vector<16xi32>
      %masked_sort3A = arith.constant dense<true> : vector<16xi1>
      %masked_sort3A_26, %masked_sort3A_27, %masked_sort3A_28 = tpu.sort %get3A_22, %add3A_25 masked %masked_sort3A {descending = true} : (vector<16xf32>, vector<16xi32>, vector<16xi1>) -> (vector<16xi1>, vector<16xf32>, vector<16xi32>)
      %get3A_29 = arith.index_cast %scan3A_19 : i32 to index
      %get3A_30 = arith.constant 16 : index
      %get3A_31 = tpu.vector_load %arg5[%get3A_29, %get3A_30] {strides = array<i32>} : memref<128x64xf32, #tpu.memory_space<vmem>>, vector<16xf32>,
      %add3A_32 = arith.constant 16 : i32
      %add3A_33 = vector.broadcast %add3A_32 : i32 to vector<16xi32>
      %add3A_34 = arith.addi %iota3A, %add3A_33 : vector<16xi32>
      %masked_sort3A_35 = arith.constant dense<true> : vector<16xi1>
      %masked_sort3A_36, %masked_sort3A_37, %masked_sort3A_38 = tpu.sort %get3A_31, %add3A_34 masked %masked_sort3A_35 {descending = true} : (vector<16xf32>, vector<16xi32>, vector<16xi1>) -> (vector<16xi1>, vector<16xf32>, vector<16xi32>)
      %get3A_39 = arith.index_cast %scan3A_19 : i32 to index
      %get3A_40 = arith.constant 32 : index
      %get3A_41 = tpu.vector_load %arg5[%get3A_39, %get3A_40] {strides = array<i32>} : memref<128x64xf32, #tpu.memory_space<vmem>>, vector<16xf32>,
      %add3A_42 = arith.constant 32 : i32
      %add3A_43 = vector.broadcast %add3A_42 : i32 to vector<16xi32>
      %add3A_44 = arith.addi %iota3A, %add3A_43 : vector<16xi32>
      %masked_sort3A_45 = arith.constant dense<true> : vector<16xi1>
      %masked_sort3A_46, %masked_sort3A_47, %masked_sort3A_48 = tpu.sort %get3A_41, %add3A_44 masked %masked_sort3A_45 {descending = true} : (vector<16xf32>, vector<16xi32>, vector<16xi1>) -> (vector<16xi1>, vector<16xf32>, vector<16xi32>)
      %get3A_49 = arith.index_cast %scan3A_19 : i32 to index
      %get3A_50 = arith.constant 48 : index
      %get3A_51 = tpu.vector_load %arg5[%get3A_49, %get3A_50] {strides = array<i32>} : memref<128x64xf32, #tpu.memory_space<vmem>>, vector<16xf32>,
      %add3A_52 = arith.constant 48 : i32
      %add3A_53 = vector.broadcast %add3A_52 : i32 to vector<16xi32>
      %add3A_54 = arith.addi %iota3A, %add3A_53 : vector<16xi32>
      %masked_sort3A_55 = arith.constant dense<true> : vector<16xi1>
      %masked_sort3A_56, %masked_sort3A_57, %masked_sort3A_58 = tpu.sort %get3A_51, %add3A_54 masked %masked_sort3A_55 {descending = true} : (vector<16xf32>, vector<16xi32>, vector<16xi1>) -> (vector<16xi1>, vector<16xf32>, vector<16xi32>)
      %broadcast_in_dim3A = vector.shape_cast %max3A_6 : vector<16xi32> to vector<16x1xi32>
      %gather3A = vector.shape_cast %broadcast_in_dim3A : vector<16x1xi32> to vector<16xi32>
      %gather3A_59 = tpu.dynamic_gather %masked_sort3A_37[%gather3A] in [0] : vector<16xf32>, vector<16xi32> -> vector<16xf32>
      %select_n3A = arith.select %lt3A_8, %masked_sort3A_27, %gather3A_59 : vector<16xi1>, vector<16xf32>
      %broadcast_in_dim3A_60 = vector.shape_cast %max3A_6 : vector<16xi32> to vector<16x1xi32>
      %gather3A_61 = vector.shape_cast %broadcast_in_dim3A_60 : vector<16x1xi32> to vector<16xi32>
      %gather3A_62 = tpu.dynamic_gather %masked_sort3A_38[%gather3A_61] in [0] : vector<16xi32>, vector<16xi32> -> vector<16xi32>
      %select_n3A_63 = arith.select %lt3A_8, %masked_sort3A_28, %gather3A_62 : vector<16xi1>, vector<16xi32>
      %masked_sort3A_64 = arith.constant dense<true> : vector<16xi1>
      %masked_sort3A_65, %masked_sort3A_66, %masked_sort3A_67 = tpu.sort %select_n3A, %select_n3A_63 masked %masked_sort3A_64 {descending = true} : (vector<16xf32>, vector<16xi32>, vector<16xi1>) -> (vector<16xi1>, vector<16xf32>, vector<16xi32>)
      %broadcast_in_dim3A_68 = vector.shape_cast %max3A_6 : vector<16xi32> to vector<16x1xi32>
      %gather3A_69 = vector.shape_cast %broadcast_in_dim3A_68 : vector<16x1xi32> to vector<16xi32>
      %gather3A_70 = tpu.dynamic_gather %masked_sort3A_57[%gather3A_69] in [0] : vector<16xf32>, vector<16xi32> -> vector<16xf32>
      %select_n3A_71 = arith.select %lt3A_8, %masked_sort3A_47, %gather3A_70 : vector<16xi1>, vector<16xf32>
      %broadcast_in_dim3A_72 = vector.shape_cast %max3A_6 : vector<16xi32> to vector<16x1xi32>
      %gather3A_73 = vector.shape_cast %broadcast_in_dim3A_72 : vector<16x1xi32> to vector<16xi32>
      %gather3A_74 = tpu.dynamic_gather %masked_sort3A_58[%gather3A_73] in [0] : vector<16xi32>, vector<16xi32> -> vector<16xi32>
      %select_n3A_75 = arith.select %lt3A_8, %masked_sort3A_48, %gather3A_74 : vector<16xi1>, vector<16xi32>
      %masked_sort3A_76 = arith.constant dense<true> : vector<16xi1>
      %masked_sort3A_77, %masked_sort3A_78, %masked_sort3A_79 = tpu.sort %select_n3A_71, %select_n3A_75 masked %masked_sort3A_76 {descending = true} : (vector<16xf32>, vector<16xi32>, vector<16xi1>) -> (vector<16xi1>, vector<16xf32>, vector<16xi32>)
      %broadcast_in_dim3A_80 = vector.shape_cast %max3A_6 : vector<16xi32> to vector<16x1xi32>
      %gather3A_81 = vector.shape_cast %broadcast_in_dim3A_80 : vector<16x1xi32> to vector<16xi32>
      %gather3A_82 = tpu.dynamic_gather %masked_sort3A_78[%gather3A_81] in [0] : vector<16xf32>, vector<16xi32> -> vector<16xf32>
      %select_n3A_83 = arith.select %lt3A_8, %masked_sort3A_66, %gather3A_82 : vector<16xi1>, vector<16xf32>
      %broadcast_in_dim3A_84 = vector.shape_cast %max3A_6 : vector<16xi32> to vector<16x1xi32>
      %gather3A_85 = vector.shape_cast %broadcast_in_dim3A_84 : vector<16x1xi32> to vector<16xi32>
      %gather3A_86 = tpu.dynamic_gather %masked_sort3A_79[%gather3A_85] in [0] : vector<16xi32>, vector<16xi32> -> vector<16xi32>
      %select_n3A_87 = arith.select %lt3A_8, %masked_sort3A_67, %gather3A_86 : vector<16xi1>, vector<16xi32>
      %masked_sort3A_88 = arith.constant dense<true> : vector<16xi1>
      %masked_sort3A_89, %masked_sort3A_90, %masked_sort3A_91 = tpu.sort %select_n3A_83, %select_n3A_87 masked %masked_sort3A_88 {descending = true} : (vector<16xf32>, vector<16xi32>, vector<16xi1>) -> (vector<16xi1>, vector<16xf32>, vector<16xi32>)
      %reduce_max3A = arith.constant true
      %reduce_max3A_92 = vector.broadcast %reduce_max3A : i1 to vector<16xi1>
      %reduce_max3A_93 = tpu.scan <max>, %masked_sort3A_90 masked %reduce_max3A_92 : vector<16xf32>, vector<16xi1> -> vector<16xf32>
      %reduce_max3A_94 = vector.extract %reduce_max3A_93[15] : f32 from vector<16xf32>
      %sub3A_95 = vector.broadcast %reduce_max3A_94 : f32 to vector<16xf32>
      %sub3A_96 = arith.subf %masked_sort3A_90, %sub3A_95 : vector<16xf32>
      %exp3A = math.exp %sub3A_96 : vector<16xf32>
      %jit3A = arith.constant 0.000000e+00 : f32
      %broadcast_in_dim3A_97 = vector.broadcast %jit3A : f32 to vector<16xf32>
      %select_n3A_98 = arith.select %lt3A_8, %exp3A, %broadcast_in_dim3A_97 : vector<16xi1>, vector<16xf32>
      %reduce_sum3A = arith.constant true
      %reduce_sum3A_99 = vector.broadcast %reduce_sum3A : i1 to vector<16xi1>
      %reduce_sum3A_100 = tpu.scan <sum>, %select_n3A_98 masked %reduce_sum3A_99 : vector<16xf32>, vector<16xi1> -> vector<16xf32>
      %reduce_sum3A_101 = vector.extract %reduce_sum3A_100[15] : f32 from vector<16xf32>
      %broadcast_in_dim3A_102 = vector.broadcast %reduce_sum3A_101 : f32 to vector<16xf32>
      %div3A = arith.divf %select_n3A_98, %broadcast_in_dim3A_102 : vector<16xf32>
      %mul3A_103 = arith.constant 8 : i32
      %mul3A_104 = arith.muli %scan3A_19, %mul3A_103 : i32
      %swap3A = arith.index_cast %mul3A_104 : i32 to index
      %swap3A_105 = tpu.vector_load %arg6[%swap3A] {strides = array<i32>} : memref<1032xf32, #tpu.memory_space<vmem>>, vector<16xf32>,
      tpu.vector_store %arg6[%swap3A], %div3A {strides = array<i32>} : memref<1032xf32, #tpu.memory_space<vmem>>, vector<16xf32>,
      %mul3A_106 = arith.constant 8 : i32
      %mul3A_107 = arith.muli %scan3A_19, %mul3A_106 : i32
      %swap3A_108 = arith.index_cast %mul3A_107 : i32 to index
      %swap3A_109 = tpu.vector_load %arg7[%swap3A_108] {strides = array<i32>} : memref<1032xi32, #tpu.memory_space<vmem>>, vector<16xi32>,
      tpu.vector_store %arg7[%swap3A_108], %masked_sort3A_91 {strides = array<i32>} : memref<1032xi32, #tpu.memory_space<vmem>>, vector<16xi32>,
      %scan3A_110 = arith.constant 0 : i32
      scf.yield %scan3A_110 : i32
    }
    %scan3A_14 = arith.constant 128 : i32
    %mul3A_15 = arith.constant 8 : i32
    %mul3A_16 = arith.muli %mul3A_2, %mul3A_15 : i32
    "tpu.region"() ({
      %run_scoped3A = tpu.sem_alloc : memref<!tpu.dma_semaphore, #tpu.memory_space<semaphore_mem>>
      %dma_start3A = arith.constant 0 : i32
      %dma_start3A_19 = tpu.memref_slice %arg6[%dma_start3A] : memref<1032xf32, #tpu.memory_space<vmem>> -> memref<1024xf32, #tpu.memory_space<vmem>>
      %dma_start3A_20 = tpu.memref_slice %arg3[%mul3A_16] : memref<32768xf32, #tpu.memory_space<hbm>> -> memref<1024xf32, #tpu.memory_space<hbm>>
      %dma_start3A_21 = tpu.memref_slice %arg3[%mul3A_16] : memref<32768xf32, #tpu.memory_space<hbm>> -> memref<1024xf32, #tpu.memory_space<hbm>>
      %dma_start3A_22 = arith.constant 0 : i32
      %dma_start3A_23 = tpu.memref_slice %arg6[%dma_start3A_22] : memref<1032xf32, #tpu.memory_space<vmem>> -> memref<1024xf32, #tpu.memory_space<vmem>>
      tpu.enqueue_dma source(%dma_start3A_23 : memref<1024xf32, #tpu.memory_space<vmem>>) target(%dma_start3A_21 : memref<1024xf32, #tpu.memory_space<hbm>>) target_semaphore(%run_scoped3A : memref<!tpu.dma_semaphore, #tpu.memory_space<semaphore_mem>>)
      %dma_wait3A = arith.constant 0 : i32
      %dma_wait3A_24 = tpu.memref_slice %arg6[%dma_wait3A] : memref<1032xf32, #tpu.memory_space<vmem>> -> memref<1024xf32, #tpu.memory_space<vmem>>
      %dma_wait3A_25 = tpu.memref_slice %arg3[%mul3A_16] : memref<32768xf32, #tpu.memory_space<hbm>> -> memref<1024xf32, #tpu.memory_space<hbm>>
      %dma_wait3A_26 = tpu.memref_slice %arg3[%mul3A_16] : memref<32768xf32, #tpu.memory_space<hbm>> -> memref<1024xf32, #tpu.memory_space<hbm>>
      %dma_wait3A_27 = arith.constant 0 : i32
      %dma_wait3A_28 = tpu.memref_slice %arg6[%dma_wait3A_27] : memref<1032xf32, #tpu.memory_space<vmem>> -> memref<1024xf32, #tpu.memory_space<vmem>>
      tpu.wait_dma2 semaphore(%run_scoped3A : memref<!tpu.dma_semaphore, #tpu.memory_space<semaphore_mem>>) src(%dma_wait3A_28 : memref<1024xf32, #tpu.memory_space<vmem>>) dst(%dma_wait3A_26 : memref<1024xf32, #tpu.memory_space<hbm>>)
      tpu.yield
    }) : () -> ()
    %mul3A_17 = arith.constant 8 : i32
    %mul3A_18 = arith.muli %mul3A_2, %mul3A_17 : i32
    "tpu.region"() ({
      %run_scoped3A = tpu.sem_alloc : memref<!tpu.dma_semaphore, #tpu.memory_space<semaphore_mem>>
      %dma_start3A = arith.constant 0 : i32
      %dma_start3A_19 = tpu.memref_slice %arg7[%dma_start3A] : memref<1032xi32, #tpu.memory_space<vmem>> -> memref<1024xi32, #tpu.memory_space<vmem>>
      %dma_start3A_20 = tpu.memref_slice %arg4[%mul3A_18] : memref<32768xi32, #tpu.memory_space<hbm>> -> memref<1024xi32, #tpu.memory_space<hbm>>
      %dma_start3A_21 = tpu.memref_slice %arg4[%mul3A_18] : memref<32768xi32, #tpu.memory_space<hbm>> -> memref<1024xi32, #tpu.memory_space<hbm>>
      %dma_start3A_22 = arith.constant 0 : i32
      %dma_start3A_23 = tpu.memref_slice %arg7[%dma_start3A_22] : memref<1032xi32, #tpu.memory_space<vmem>> -> memref<1024xi32, #tpu.memory_space<vmem>>
      tpu.enqueue_dma source(%dma_start3A_23 : memref<1024xi32, #tpu.memory_space<vmem>>) target(%dma_start3A_21 : memref<1024xi32, #tpu.memory_space<hbm>>) target_semaphore(%run_scoped3A : memref<!tpu.dma_semaphore, #tpu.memory_space<semaphore_mem>>)
      %dma_wait3A = arith.constant 0 : i32
      %dma_wait3A_24 = tpu.memref_slice %arg7[%dma_wait3A] : memref<1032xi32, #tpu.memory_space<vmem>> -> memref<1024xi32, #tpu.memory_space<vmem>>
      %dma_wait3A_25 = tpu.memref_slice %arg4[%mul3A_18] : memref<32768xi32, #tpu.memory_space<hbm>> -> memref<1024xi32, #tpu.memory_space<hbm>>
      %dma_wait3A_26 = tpu.memref_slice %arg4[%mul3A_18] : memref<32768xi32, #tpu.memory_space<hbm>> -> memref<1024xi32, #tpu.memory_space<hbm>>
      %dma_wait3A_27 = arith.constant 0 : i32
      %dma_wait3A_28 = tpu.memref_slice %arg7[%dma_wait3A_27] : memref<1032xi32, #tpu.memory_space<vmem>> -> memref<1024xi32, #tpu.memory_space<vmem>>
      tpu.wait_dma2 semaphore(%run_scoped3A : memref<!tpu.dma_semaphore, #tpu.memory_space<semaphore_mem>>) src(%dma_wait3A_28 : memref<1024xi32, #tpu.memory_space<vmem>>) dst(%dma_wait3A_26 : memref<1024xi32, #tpu.memory_space<hbm>>)
      tpu.yield
    }) : () -> ()
    return
  }
}

module attributes {stable_mosaic.version = 14 : i64} {
  func.func @_matmul_body(%arg0: i32, %arg1: memref<512x4096xf32, #tpu.memory_space<vmem>>, %arg2: memref<64x4096xf32, #tpu.memory_space<vmem>>, %arg3: memref<512x64xf32, #tpu.memory_space<vmem>>) attributes {dimension_semantics = [#tpu.dimension_semantics<arbitrary>], iteration_bounds = array<i64: 8>, scalar_prefetch = 0 : i64, scratch_operands = 0 : i64, tpu.core_type = #tpu.core_type<tc>, window_params = [{transform_indices = @transform_0, window_bounds = array<i64: 512, 4096>}, {pipeline_mode = #tpu.pipeline_mode<synchronous>, transform_indices = @transform_1, window_bounds = array<i64: 64, 4096>}, {transform_indices = @transform_2, window_bounds = array<i64: 512, 64>}]} {
    %get3A = arith.constant 0 : index
    %get3A_0 = arith.constant 0 : index
    %get3A_1 = vector.load %arg1[%get3A, %get3A_0] : memref<512x4096xf32, #tpu.memory_space<vmem>>, vector<512x4096xf32>
    %get3A_2 = arith.constant 0 : index
    %get3A_3 = arith.constant 0 : index
    %get3A_4 = vector.load %arg2[%get3A_2, %get3A_3] : memref<64x4096xf32, #tpu.memory_space<vmem>>, vector<64x4096xf32>
    %dot_general3A = arith.constant dense<0.000000e+00> : vector<512x64xf32>
    %dot_general3A_5 = tpu.matmul %get3A_1, %get3A_4, %dot_general3A {dimension_numbers = #tpu.dot_dimension_numbers<[1], [1], [0], [0], [0, 0, 1, 0], [], []>, transpose_lhs_hint = false} : vector<512x4096xf32>, vector<64x4096xf32>, vector<512x64xf32> -> vector<512x64xf32>
    %swap3A = arith.constant 0 : index
    %swap3A_6 = arith.constant 0 : index
    %swap3A_7 = vector.load %arg3[%swap3A, %swap3A_6] : memref<512x64xf32, #tpu.memory_space<vmem>>, vector<512x64xf32>
    tpu.vector_store %arg3[%swap3A, %swap3A_6], %dot_general3A_5 {strides = array<i32>} : memref<512x64xf32, #tpu.memory_space<vmem>>, vector<512x64xf32>,
    return
  }
  func.func @transform_0(%arg0: i32) -> (i32, i32) {
    %add3A = arith.constant 0 : i32
    %add3A_0 = arith.addi %add3A, %arg0 : i32
    %c0_i32 = arith.constant 0 : i32
    %c0_i32_1 = arith.constant 0 : i32
    return %add3A_0, %c0_i32 : i32, i32
  }
  func.func @transform_1(%arg0: i32) -> (i32, i32) {
    %c0_i32 = arith.constant 0 : i32
    %c0_i32_0 = arith.constant 0 : i32
    %c0_i32_1 = arith.constant 0 : i32
    return %c0_i32, %c0_i32_0 : i32, i32
  }
  func.func @transform_2(%arg0: i32) -> (i32, i32) {
    %c0_i32 = arith.constant 0 : i32
    %c0_i32_0 = arith.constant 0 : i32
    return %arg0, %c0_i32 : i32, i32
  }
}

module attributes {stable_mosaic.version = 14 : i64} {
  func.func @_matmul_body(%arg0: i32, %arg1: memref<512x4096xf32, #tpu.memory_space<vmem>>, %arg2: memref<64x4096xf32, #tpu.memory_space<vmem>>, %arg3: memref<512x64xf32, #tpu.memory_space<vmem>>) attributes {dimension_semantics = [#tpu.dimension_semantics<arbitrary>], iteration_bounds = array<i64: 8>, scalar_prefetch = 0 : i64, scratch_operands = 0 : i64, tpu.core_type = #tpu.core_type<tc>, window_params = [{transform_indices = @transform_0, window_bounds = array<i64: 512, 4096>}, {pipeline_mode = #tpu.pipeline_mode<synchronous>, transform_indices = @transform_1, window_bounds = array<i64: 64, 4096>}, {transform_indices = @transform_2, window_bounds = array<i64: 512, 64>}]} {
    %get3A = arith.constant 0 : index
    %get3A_0 = arith.constant 0 : index
    %get3A_1 = vector.load %arg1[%get3A, %get3A_0] : memref<512x4096xf32, #tpu.memory_space<vmem>>, vector<512x4096xf32>
    %get3A_2 = arith.constant 0 : index
    %get3A_3 = arith.constant 0 : index
    %get3A_4 = vector.load %arg2[%get3A_2, %get3A_3] : memref<64x4096xf32, #tpu.memory_space<vmem>>, vector<64x4096xf32>
    %dot_general3A = arith.constant dense<0.000000e+00> : vector<512x64xf32>
    %dot_general3A_5 = tpu.matmul %get3A_1, %get3A_4, %dot_general3A {dimension_numbers = #tpu.dot_dimension_numbers<[1], [1], [0], [0], [0, 0, 1, 0], [], []>, transpose_lhs_hint = false} : vector<512x4096xf32>, vector<64x4096xf32>, vector<512x64xf32> -> vector<512x64xf32>
    %swap3A = arith.constant 0 : index
    %swap3A_6 = arith.constant 0 : index
    %swap3A_7 = vector.load %arg3[%swap3A, %swap3A_6] : memref<512x64xf32, #tpu.memory_space<vmem>>, vector<512x64xf32>
    tpu.vector_store %arg3[%swap3A, %swap3A_6], %dot_general3A_5 {strides = array<i32>} : memref<512x64xf32, #tpu.memory_space<vmem>>, vector<512x64xf32>,
    return
  }
  func.func @transform_0(%arg0: i32) -> (i32, i32) {
    %add3A = arith.constant 8 : i32
    %add3A_0 = arith.addi %add3A, %arg0 : i32
    %c0_i32 = arith.constant 0 : i32
    %c0_i32_1 = arith.constant 0 : i32
    return %add3A_0, %c0_i32 : i32, i32
  }
  func.func @transform_1(%arg0: i32) -> (i32, i32) {
    %c0_i32 = arith.constant 0 : i32
    %c0_i32_0 = arith.constant 0 : i32
    %c0_i32_1 = arith.constant 0 : i32
    return %c0_i32, %c0_i32_0 : i32, i32
  }
  func.func @transform_2(%arg0: i32) -> (i32, i32) {
    %c0_i32 = arith.constant 0 : i32
    %c0_i32_0 = arith.constant 0 : i32
    return %arg0, %c0_i32 : i32, i32
  }
}

module attributes {stable_mosaic.version = 14 : i64} {
  func.func @_matmul_body(%arg0: i32, %arg1: memref<512x4096xf32, #tpu.memory_space<vmem>>, %arg2: memref<64x4096xf32, #tpu.memory_space<vmem>>, %arg3: memref<512x64xf32, #tpu.memory_space<vmem>>) attributes {dimension_semantics = [#tpu.dimension_semantics<arbitrary>], iteration_bounds = array<i64: 8>, scalar_prefetch = 0 : i64, scratch_operands = 0 : i64, tpu.core_type = #tpu.core_type<tc>, window_params = [{transform_indices = @transform_0, window_bounds = array<i64: 512, 4096>}, {pipeline_mode = #tpu.pipeline_mode<synchronous>, transform_indices = @transform_1, window_bounds = array<i64: 64, 4096>}, {transform_indices = @transform_2, window_bounds = array<i64: 512, 64>}]} {
    %get3A = arith.constant 0 : index
    %get3A_0 = arith.constant 0 : index
    %get3A_1 = vector.load %arg1[%get3A, %get3A_0] : memref<512x4096xf32, #tpu.memory_space<vmem>>, vector<512x4096xf32>
    %get3A_2 = arith.constant 0 : index
    %get3A_3 = arith.constant 0 : index
    %get3A_4 = vector.load %arg2[%get3A_2, %get3A_3] : memref<64x4096xf32, #tpu.memory_space<vmem>>, vector<64x4096xf32>
    %dot_general3A = arith.constant dense<0.000000e+00> : vector<512x64xf32>
    %dot_general3A_5 = tpu.matmul %get3A_1, %get3A_4, %dot_general3A {dimension_numbers = #tpu.dot_dimension_numbers<[1], [1], [0], [0], [0, 0, 1, 0], [], []>, transpose_lhs_hint = false} : vector<512x4096xf32>, vector<64x4096xf32>, vector<512x64xf32> -> vector<512x64xf32>
    %swap3A = arith.constant 0 : index
    %swap3A_6 = arith.constant 0 : index
    %swap3A_7 = vector.load %arg3[%swap3A, %swap3A_6] : memref<512x64xf32, #tpu.memory_space<vmem>>, vector<512x64xf32>
    tpu.vector_store %arg3[%swap3A, %swap3A_6], %dot_general3A_5 {strides = array<i32>} : memref<512x64xf32, #tpu.memory_space<vmem>>, vector<512x64xf32>,
    return
  }
  func.func @transform_0(%arg0: i32) -> (i32, i32) {
    %add3A = arith.constant 16 : i32
    %add3A_0 = arith.addi %add3A, %arg0 : i32
    %c0_i32 = arith.constant 0 : i32
    %c0_i32_1 = arith.constant 0 : i32
    return %add3A_0, %c0_i32 : i32, i32
  }
  func.func @transform_1(%arg0: i32) -> (i32, i32) {
    %c0_i32 = arith.constant 0 : i32
    %c0_i32_0 = arith.constant 0 : i32
    %c0_i32_1 = arith.constant 0 : i32
    return %c0_i32, %c0_i32_0 : i32, i32
  }
  func.func @transform_2(%arg0: i32) -> (i32, i32) {
    %c0_i32 = arith.constant 0 : i32
    %c0_i32_0 = arith.constant 0 : i32
    return %arg0, %c0_i32 : i32, i32
  }
}

module attributes {stable_mosaic.version = 14 : i64} {
  func.func @_matmul_body(%arg0: i32, %arg1: memref<512x4096xf32, #tpu.memory_space<vmem>>, %arg2: memref<64x4096xf32, #tpu.memory_space<vmem>>, %arg3: memref<512x64xf32, #tpu.memory_space<vmem>>) attributes {dimension_semantics = [#tpu.dimension_semantics<arbitrary>], iteration_bounds = array<i64: 8>, scalar_prefetch = 0 : i64, scratch_operands = 0 : i64, tpu.core_type = #tpu.core_type<tc>, window_params = [{transform_indices = @transform_0, window_bounds = array<i64: 512, 4096>}, {pipeline_mode = #tpu.pipeline_mode<synchronous>, transform_indices = @transform_1, window_bounds = array<i64: 64, 4096>}, {transform_indices = @transform_2, window_bounds = array<i64: 512, 64>}]} {
    %get3A = arith.constant 0 : index
    %get3A_0 = arith.constant 0 : index
    %get3A_1 = vector.load %arg1[%get3A, %get3A_0] : memref<512x4096xf32, #tpu.memory_space<vmem>>, vector<512x4096xf32>
    %get3A_2 = arith.constant 0 : index
    %get3A_3 = arith.constant 0 : index
    %get3A_4 = vector.load %arg2[%get3A_2, %get3A_3] : memref<64x4096xf32, #tpu.memory_space<vmem>>, vector<64x4096xf32>
    %dot_general3A = arith.constant dense<0.000000e+00> : vector<512x64xf32>
    %dot_general3A_5 = tpu.matmul %get3A_1, %get3A_4, %dot_general3A {dimension_numbers = #tpu.dot_dimension_numbers<[1], [1], [0], [0], [0, 0, 1, 0], [], []>, transpose_lhs_hint = false} : vector<512x4096xf32>, vector<64x4096xf32>, vector<512x64xf32> -> vector<512x64xf32>
    %swap3A = arith.constant 0 : index
    %swap3A_6 = arith.constant 0 : index
    %swap3A_7 = vector.load %arg3[%swap3A, %swap3A_6] : memref<512x64xf32, #tpu.memory_space<vmem>>, vector<512x64xf32>
    tpu.vector_store %arg3[%swap3A, %swap3A_6], %dot_general3A_5 {strides = array<i32>} : memref<512x64xf32, #tpu.memory_space<vmem>>, vector<512x64xf32>,
    return
  }
  func.func @transform_0(%arg0: i32) -> (i32, i32) {
    %add3A = arith.constant 24 : i32
    %add3A_0 = arith.addi %add3A, %arg0 : i32
    %c0_i32 = arith.constant 0 : i32
    %c0_i32_1 = arith.constant 0 : i32
    return %add3A_0, %c0_i32 : i32, i32
  }
  func.func @transform_1(%arg0: i32) -> (i32, i32) {
    %c0_i32 = arith.constant 0 : i32
    %c0_i32_0 = arith.constant 0 : i32
    %c0_i32_1 = arith.constant 0 : i32
    return %c0_i32, %c0_i32_0 : i32, i32
  }
  func.func @transform_2(%arg0: i32) -> (i32, i32) {
    %c0_i32 = arith.constant 0 : i32
    %c0_i32_0 = arith.constant 0 : i32
    return %arg0, %c0_i32 : i32, i32
  }
}

</mosaic_0001>

<sc_bundles>
// kernel: kernel.10.cloned.1.call-start
scs
__scs_entry_jumppad:
0x0: {  	(pc) =	sbr.rel $0x88, $3  }
0x1: {  	(tag) =	ssettag $0x0;
	lr =	simm.s32 $0x1  }
0x2: {  	[smem:$0x3F9F] =	sst lr;
	_ =	strace $0xD0000000  }
0x3: {  	_ = 	snop  }
0x4: {  	_ = 	snop  }
0x5: {  	_ = 	snop  }
0x6: {  	_ = 	snop  }
0x7: {  	_ = 	snop  }
__scs_overlays_trampoline_lowered:
0x8: {  	[smem:$0x3FAE] =	sst s0  }
0x9: {  	[smem:$0x3FAF] =	sst s1  }
0xa: {  	[smem:$0x3FB0] =	sst s2  }
0xb: {  	[smem:$0x3FB1] =	sst s3  }
0xc: {  	[smem:$0x3FB2] =	sst s4  }
0xd: {  	[smem:$0x3FB3] =	sst s5  }
0xe: {  	[smem:$0x3FB4] =	sst s6  }
0xf: {  	[smem:$0x3FB5] =	sst s7  }
0x10: {  	[smem:$0x3FB6] =	sst s8  }
0x11: {  	[smem:$0x3FB7] =	sst s9;
	s0 =	simm.s32 @!p0 $0x0  }
0x12: {  	s1 =	sld [smem:$0x3F9D];
	s0 =	simm.s32 @p0 $0x1  }
0x13: {  	[smem:$0x3FB8] =	sst s0;
	s0 =	simm.s32 @!p1 $0x0  }
0x14: {  	s2 =	sld [smem:$0x3F9C];
	s0 =	simm.s32 @p1 $0x1  }
0x15: {  	[smem:$0x3FB9] =	sst s0;
	s0 =	simm.s32 @!p2 $0x0  }
0x16: {  	s3 =	sld [smem:$0x3FDB];
	s0 =	simm.s32 @p2 $0x1  }
0x17: {  	s4 =	simm.s32 $0x1BF5;
	[smem:$0x3FBB] =	sst s0  }
0x18: {  	s0 =	sld [smem:$0x3F9E];
	_ =	swait.ge [sflag:s4], $0x0  }
0x19: {  	s7 =	sld [smem:$0x3F9F]  }
0x1a: {  	s8 =	sadd.s32 $0xFFFFE003, lr  }
0x1b: {  	s9 =	sadd.s32 $0xFFFFFEF7, lr;
	s5 =	simm.s32 $0xFFFFFFFF;
	p2 =	slt.u32 s8, $0xFFFFF086  }
0x1c: {  	p1 =	slt.u32 s9, $0xF7A;
	s5 =	simm.s32 @!p2 $0x0  }
0x1d: {  	s5 =	simm.s32 @p1 $0x1;
	p0 =	seq.s32 s7, s2  }
0x1e: {  	s7 =	smul.u32 @!p0 $0xF7A, s2;
	p2 =	seq.s32 @!p0 s5, $0x0  }
0x1f: {  	s9 =	smul.u32 $0xF7A, s1;
	s8 =	simm.s32 @!p0 $0x1BF5;
	p2 =	por !p2, p0  }
0x20: {  	[sflag:s8] =	ssyncset.s32 @!p0 $0xFFFFF086;
	s6 =	sadd.s32 @!p0 s3, s7;
	s7 =	simm.s32 @!p0 $0x108  }
0x21: {  	s3 =	sadd.s32 s3, s9;
	s6 =	sadd.s32 @!p0 $0x88, s6;
	s7 =	simm.s32 @p2 $0x1082  }
0x22: {  	[simem:s7], [sflag:s8] =	dma.local @!p0 [hbm:s6], $0xF7A  }
0x23: {  	s9 =	sor.u32 $0xD0000000, s2;
	s6 =	simm.s32 $0x108;
	_ =	swait.ge @!p0 [sflag:s8], $0x0  }
0x24: {  	s3 =	sadd.s32 $0x88, s3;
	s6 =	simm.s32 @!p1 $0x1082;
	[sflag:s4] =	ssyncset.s32 $0xFFFFF086  }
0x25: {  	[simem:s6], [sflag:s4] =	dma.local [hbm:s3], $0xF7A  }
0x26: {  	[smem:$0x3F9F] =	sst s1;
	(tag) =	ssettag s2;
	_ =	strace s9  }
0x27: {  	s1 =	sld [smem:$0x3FAF]  }
0x28: {  	s2 =	sld [smem:$0x3FB0]  }
0x29: {  	s4 =	sld [smem:$0x3FB2]  }
0x2a: {  	p0 =	seq.s32 s5, $0x0;
	s5 =	sld [smem:$0x3FB3]  }
0x2b: {  	s6 =	sld [smem:$0x3FB4]  }
0x2c: {  	s7 =	sld [smem:$0x3FB5]  }
0x2d: {  	s3 =	simm.s32 $0x108;
	s8 =	sld [smem:$0x3FB6]  }
0x2e: {  	s3 =	simm.s32 @!p0 $0x1082;
	s9 =	sld [smem:$0x3FB7]  }
0x2f: {  	lr =	sadd.s32 s0, s3;
	s0 =	sld [smem:$0x3FAE]  }
0x30: {  	s3 =	sld [smem:$0x3FB1]  }
0x31: {  	[smem:$0x3FBA] =	sst s10  }
0x32: {  	s10 =	sld [smem:$0x3FB8];
	_ =	sdelay $0x3  }
0x33: {  	p0 =	seq.s32 s10, $0x1;
	s10 =	sld [smem:$0x3FBA];
	_ =	sdelay $0x3  }
0x34: {  	[smem:$0x3FBA] =	sst s10  }
0x35: {  	s10 =	sld [smem:$0x3FB9];
	_ =	sdelay $0x3  }
0x36: {  	p1 =	seq.s32 s10, $0x1;
	s10 =	sld [smem:$0x3FBA];
	_ =	sdelay $0x3  }
0x37: {  	[smem:$0x3FBA] =	sst s10  }
0x38: {  	s10 =	sld [smem:$0x3FBB]  }
0x39: {  	_ = 	snop;
	(pc) =	sbr.ind lr, $3  }
0x3a: {  	_ = 	snop  }
0x3b: {  	_ = 	snop  }
0x3c: {  	p2 =	seq.s32 s10, $0x1;
	s10 =	sld [smem:$0x3FBA]  }
0x3d: {  	_ =	shalt  }
0x3e: {  	_ =	shalt  }
0x3f: {  	_ =	shalt  }
0x40: {  	_ =	shalt  }
0x41: {  	_ =	shalt  }
0x42: {  	_ =	shalt  }
0x43: {  	_ =	shalt  }
0x44: {  	_ =	shalt  }
0x45: {  	_ =	shalt  }
0x46: {  	_ =	shalt  }
0x47: {  	_ =	shalt  }
0x48: {  	_ =	shalt  }
0x49: {  	_ =	shalt  }
0x4a: {  	_ =	shalt  }
0x4b: {  	_ =	shalt  }
0x4c: {  	_ =	shalt  }
0x4d: {  	_ =	shalt  }
0x4e: {  	_ =	shalt  }
0x4f: {  	_ =	shalt  }
0x50: {  	_ =	shalt  }
0x51: {  	_ =	shalt  }
0x52: {  	_ =	shalt  }
0x53: {  	_ =	shalt  }
0x54: {  	_ =	shalt  }
0x55: {  	_ =	shalt  }
0x56: {  	_ =	shalt  }
0x57: {  	_ =	shalt  }
0x58: {  	_ =	shalt  }
0x59: {  	_ =	shalt  }
0x5a: {  	_ =	shalt  }
0x5b: {  	_ =	shalt  }
0x5c: {  	_ =	shalt  }
0x5d: {  	_ =	shalt  }
0x5e: {  	_ =	shalt  }
0x5f: {  	_ =	shalt  }
0x60: {  	_ =	shalt  }
0x61: {  	_ =	shalt  }
0x62: {  	_ =	shalt  }
0x63: {  	_ =	shalt  }
0x64: {  	_ =	shalt  }
0x65: {  	_ =	shalt  }
0x66: {  	_ =	shalt  }
0x67: {  	_ =	shalt  }
0x68: {  	_ =	shalt  }
0x69: {  	_ =	shalt  }
0x6a: {  	_ =	shalt  }
0x6b: {  	_ =	shalt  }
0x6c: {  	_ =	shalt  }
0x6d: {  	_ =	shalt  }
0x6e: {  	_ =	shalt  }
0x6f: {  	_ =	shalt  }
0x70: {  	_ =	shalt  }
0x71: {  	_ =	shalt  }
0x72: {  	_ =	shalt  }
0x73: {  	_ =	shalt  }
0x74: {  	_ =	shalt  }
0x75: {  	_ =	shalt  }
0x76: {  	_ =	shalt  }
0x77: {  	_ =	shalt  }
0x78: {  	_ =	shalt  }
0x79: {  	_ =	shalt  }
0x7a: {  	_ =	shalt  }
0x7b: {  	_ =	shalt  }
0x7c: {  	_ =	shalt  }
0x7d: {  	_ =	shalt  }
0x7e: {  	_ =	shalt  }
0x7f: {  	_ =	shalt  }
0x80: {  	_ =	shalt  }
0x81: {  	_ =	shalt  }
0x82: {  	_ =	shalt  }
0x83: {  	_ =	shalt  }
0x84: {  	_ =	shalt  }
0x85: {  	_ =	shalt  }
0x86: {  	_ =	shalt  }
0x87: {  	_ =	shalt  }
.Lfunc_end0:
.L_simem_size_0:
called_computation_lowered:
.L_overlay_start_0:
0x88: {  	s2 =	sld [smem:$0x3FD9]  }
0x89: {  	s3 =	sld [smem:$0x3FFE];
	_ =	sdelay $0x1  }
0x8a: {  	s1 =	srdreg.scid  }
0x8b: {  	s0 =	sand.u32 $0x1, s1  }
0x8c: {  	s15 =	sshll.u32 s0, $0xA;
	s2 =	sadd.s32 s3, s2  }
0x8d: {  	s2 =	sadd.s32 s2, s15  }
0x8e: {  	[smem:$0x3FC6] =	sst s2  }
0x8f: {  	_ = 	snop  }
0x90: {  	s2 =	sld [smem:$0x3FD0];
	_ =	sdelay $0x2  }
0x91: {  	s4 =	simm.s32 $0xD;
	s16 =	simm.s32 $0x10  }
0x92: {  	[smem:s16], [sflag:s4] =	dma.local [hbm:s2], $0x1  }
0x93: {  	_ =	swait.eq [sflag:s4], $0x1  }
0x94: {  	[sflag:s4] =	ssyncset.done $0x0  }
0x95: {  	s17 =	sld [smem:$0x10];
	[sflag:s4] =	ssyncadd.s32 $0xFFFFFFFF  }
0x96: {  	s18 =	sld [smem:$0x11];
	(tm) =	ssettm $0x1  }
0x97: {  	s19 =	sld [smem:$0x3FFB];
	_ =	sdelay $0x3  }
0x98: {  	_ =	strace s19  }
0x99: {  	s2 =	sld [smem:$0x3FFC];
	_ =	sdelay $0x3  }
0x9a: {  	_ =	strace s2  }
0x9b: {  	s2 =	sld [smem:$0x3FFD];
	_ =	sdelay $0x3  }
0x9c: {  	_ =	strace s2  }
0x9d: {  	_ =	strace $0x8FFFFFFF  }
0x9e: {  	s20 =	sld [smem:$0x3FDB];
	_ =	sdelay $0x1  }
0x9f: {  	s5 =	simm.s32 $_scs_section_size  }
0xa0: {  	s6 =	simm.s32 $_size__tile_overlayer_lowered;
	s7 =	simm.s32 $_tile_overlayer_lowered  }
0xa1: {  	s8 =	simm.s32 $0x1BFF;
	s21 =	sshll.u32 s7, $0x1;
	s5 =	sadd.s32 s5, s20  }
0xa2: {  	s22 =	simm.s32 $0x0;
	s6 =	sshll.u32 s6, $0x1;
	s7 =	sadd.s32 s21, s5  }
0xa3: {  	[timem:s22], [sflag:s8] =	dma.local [hbm:s7], s6  }
0xa4: {  	_ =	swait.ge [sflag:s8], s6  }
0xa5: {  	s6 =	ssub.s32 $0x0, s6;
	[sflag:s8] =	ssyncset.done $0x0  }
0xa6: {  	[sflag:s8] =	ssyncadd.s32 s6;
	_ =	sdelay $0x1  }
0xa7: {  	s23 =	simm.s32 $0x1B8B  }
0xa8: {  	_ =	swait.ge [sflag:s23], $0x1  }
0xa9: {  	[sflag:s23] =	ssyncset.done $0x0  }
0xaa: {  	[sflag:s23] =	ssyncadd.s32 $0xFFFFFFFF  }
0xab: {  	s6 =	sld [smem:$0x0]  }
0xac: {  	s7 =	sand.u32 $0xFFFFFFFE, s1  }
0xad: {  	p0 =	sne.s32 s1, s7  }
0xae: {  	s7 =	sshll.u32 @p0 s7, $0xE  }
0xaf: {  	s7 =	sadd.s32 @p0 $0x11B8D, s7;
	s8 =	sshll.u32 @p0 s6, $0x11  }
0xb0: {  	s7 =	sor.u32 @p0 s8, s7  }
0xb1: {  	[sflag:s7] =	ssyncadd.remote.s32 @p0 $0x1;
	_ =	sdelay $0x1  }
0xb2: {  	s7 =	simm.s32 @p0 $0x1B8D  }
0xb3: {  	_ =	swait.eq @p0 [sflag:s7], $0x1  }
0xb4: {  	[sflag:s7] =	ssyncadd.s32 @p0 $0xFFFFFFFF  }
0xb5: {  	s8 =	sshll.u32 @!p0 s1, $0xE  }
0xb6: {  	s8 =	sor.u32 @!p0 $0x4000, s8;
	s7 =	simm.s32 @!p0 $0x1B8D  }
0xb7: {  	s6 =	sshll.u32 @!p0 s6, $0x11;
	s8 =	sadd.s32 @!p0 $0x11B8D, s8;
	_ =	swait.eq @!p0 [sflag:s7], $0x1  }
0xb8: {  	s6 =	sor.u32 @!p0 s6, s8;
	[sflag:s7] =	ssyncadd.s32 @!p0 $0xFFFFFFFF  }
0xb9: {  	s25 =	simm.s32 $0x1B8E;
	s24 =	sld [smem:$0x3FFE];
	[sflag:s6] =	ssyncadd.remote.s32 @!p0 $0x1  }
0xba: {  	s26 =	simm.s32 $execute0_lowered;
	[smem:$0x3FD2] =	sst s25  }
0xbb: {  	s7 =	sshll.u32 s26, $0x1;
	_ =	strace $0x8000004F;
	[dreg:$0x1] =	wrdreg $0xFFFFFFFF  }
0xbc: {  	s28 =	simm.s32 $_size_execute0_lowered;
	s5 =	sadd.s32 s5, s7;
	[dreg:$0x0] =	wrdreg $0x0  }
0xbd: {  	s7 =	sshll.u32 s28, $0x1;
	[dreg:$0x2] =	wrdreg s5  }
0xbe: {  	[dreg:$0x3] =	wrdreg s7  }
0xbf: {  	[dreg:$0x4] =	wrdreg $0xC0  }
0xc0: {  	_ =	task [dreg:s22], $0x5FFFF  }
0xc1: {  	[dreg:$0x1] =	wrdreg $0xFFFFFFFF  }
0xc2: {  	[dreg:$0x0] =	wrdreg $0x60  }
0xc3: {  	[dreg:$0x2] =	wrdreg s24  }
0xc4: {  	[dreg:$0x3] =	wrdreg s18  }
0xc5: {  	[dreg:$0x4] =	wrdreg s17  }
0xc6: {  	[dreg:$0x5] =	wrdreg $0x9  }
0xc7: {  	_ =	task.clear_ibuf [dreg:s22], $0x6FFFF;
	_ =	strace $0x9000004F  }
0xc8: {  	s29 =	simm.s32 $0x9;
	_ =	strace $0x80000051  }
0xc9: {  	_ =	swait.ge [sflag:s29], $0x1  }
0xca: {  	[sflag:s29] =	ssyncadd.s32 $0xFFFFFFFF  }
0xcb: {  	_ =	strace $0x90000051  }
0xcc: {  	_ =	sfence  }
0xcd: {  	s30 =	sld [smem:$0x0];
	_ =	sdelay $0x2  }
0xce: {  	s31 =	sshll.u32 s1, $0xD;
	s1 =	sshrl.u32 s1, $0x2  }
0xcf: {  	s4 =	sand.u32 $0x4000, s31;
	s1 =	sadd.s32 s1, s30  }
0xd0: {  	s0 =	sor.u32 s4, s0;
	s1 =	sshll.u32 s1, $0x11  }
0xd1: {  	s0 =	sor.u32 s1, s0  }
0xd2: {  	s0 =	sadd.s32 $0x8F2B, s0  }
0xd3: {  	[sflag:s0] =	ssyncadd.remote.s32 $0x1  }
0xd4: {  	_ =	sfence.sel $0xFFFF  }
0xd5: {  	[dreg:$0x0] =	wrdreg $0xFFFFFFFF;
	(pc) =	sbr.abs _section_cstart, $3  }
0xd6: {  	[dreg:$0x1] =	wrdreg $0xFFFFFFFF  }
0xd7: {  	_ =	task.clear_ibuf [dreg:s22], $0x2FFFF;
	_ =	strace $0x9FFFFFFF  }
0xd8: {  	(tm) =	ssettm $0x7FFFFFFF  }
0xd9: {  	_ =	shalt  }
tec
execute0_lowered:
.L_overlay_start_1:
0x0: {  	(tag) =	ssettag $0x1  }
0x1: {  	s3 =	rddreg [dreg:$0x0]  }
0x2: {  	s4 =	rddreg [dreg:$0x1]  }
0x3: {  	s5 =	rddreg [dreg:$0x2];
	v0 =	vimm.s32 $0xE40000  }
0x4: {  	s0 =	rddreg [dreg:$0x3];
	s6 =	srdreg.scid;
	v0 =	vunpack.c.l.s2.s4 v0  }
0x5: {  	s1 =	stileid.u32;
	s2 =	simm.s32 $0x0;
	s9 =	simm.s32 $0x4480  }
0x6: {  	s10 =	simm.s32 $0x0;
	s6 =	sand.u32 $0x1, s6;
	s7 =	sshll.u32 s1, $0x1;
	v1 =	vunpack.c.l.s4.s8 v0  }
0x7: {  	[smem:$0x7FF] =	sst s2;
	s7 =	sor.u32 s6, s7;
	s6 =	ssub.s32 $0x2, s6  }
0x8: {  	v2 =	vimm.s32 $0x7060504;
	_ =	strace $0x80000050;
	s8 =	sshll.u32 s7, $0xB;
	s31 =	sshrl.u32 s6, $0x1;
	v3 =	vunpack.c.0.s8.s32 v1  }
0x9: {  	vm0 =	vcmask $0x3F30;
	v4 =	vunpack.c.0.s8.s32 v2;
	s7 =	sshll.u32 s7, $0x7;
	v0 =	vlaneseq.u32;
	s3 =	sadd.s32 s8, s3;
	s6 =	ssub.s32 s6, s31  }
0xa: {  	s4 =	sadd.s32 s4, s7;
	s5 =	sadd.s32 s5, s7;
	s7 =	simm.s32 $0x1;
	v2 =	vor.u32 $0x20, v0;
	v1 =	vor.u32 $0x10, v0;
	v5 =	vand.u32 $0x3, v3  }
0xb: {  	s8 =	simm.s32 $0x4000;
	s3 =	sadd.s32 $0x39800, s3;
	s6 =	smax.u32 s6, $0x1;
	v3 =	vor.u32 $0x30, v0;
	v4 =	vsel vm0, v4, v5;
	vm0 =	vmmov $0xff  }
.LBB2_1:
0xc: {  	[tilespmem:s2], [sflag:$0x1] =	stream.linear.gather [hbm4b:s3+s2], $0x4000, $0x38;
	[tilespmem:$0x4900] =	vst v63  }
0xd: {  	_ =	swait.ge [sflag:s7], $0x4000  }
0xe: {  	[sflag:s7] =	ssyncset.done $0x0  }
0xf: {  	s12 =	simm.s32 $0x20;
	[sflag:s7] =	ssyncadd.s32 $0xFFFFC000  }
0x10: {  	s13 =	simm.s32 $0x20;
	s11 =	simm.s32 $0x0;
	v5 =	vld [tilespmem:s12+$0x10]  }
.LBB2_2:
0x11: {  	p0 =	sne.s32 s13, $0xFE0;
	v6 =	vld [tilespmem:s12+$0xFFFFFFF0]  }
0x12: {  	v7 =	vld [tilespmem:s12+$0x0];
	_ =	sdelay $0x1  }
0x13: {  	v8 =	vld [tilespmem:s12+$0xFFFFFFE0]  }
0x14: {  	(xrf1) =	vsort.dscd.msk.f32 $0xffff, v5, v3  }
0x15: {  	(xrf1) =	vsort.dscd.msk.f32 $0xffff, v6, v1  }
0x16: {  	(xrf1) =	vsort.dscd.msk.f32 $0xffff, v7, v2;
	_ =	sdelay $0x1  }
0x17: {  	(xrf1) =	vsort.dscd.msk.f32 $0xffff, v8, v0;
	_ =	sdelay $0x9  }
0x18: {  	v5, v6, _ =	vpop (xrf1)  }
0x19: {  	v5 =	vperm.xlane v5, v4;
	v6 =	vperm.xlane v6, v4;
	v7, v8, _ =	vpop (xrf1)  }
0x1a: {  	v7 =	vperm.xlane v7, v4;
	v9, v10, _ =	vpop (xrf1)  }
0x1b: {  	v8 =	vperm.xlane v8, v4;
	v5 =	vsel vm0, v9, v5;
	v6 =	vsel vm0, v10, v6  }
0x1c: {  	v9, v10, _ =	vpop (xrf1);
	(xrf1) =	vsort.dscd.msk.f32 $0xffff, v5, v6  }
0x1d: {  	v5 =	vsel vm0, v9, v7;
	v6 =	vsel vm0, v10, v8  }
0x1e: {  	(xrf1) =	vsort.dscd.msk.f32 $0xffff, v5, v6;
	_ =	sdelay $0xb  }
0x1f: {  	v5, v6, _ =	vpop (xrf1)  }
0x20: {  	v5 =	vperm.xlane v5, v4;
	v6 =	vperm.xlane v6, v4  }
0x21: {  	v7, v8, _ =	vpop (xrf1)  }
0x22: {  	v5 =	vsel vm0, v7, v5;
	v6 =	vsel vm0, v8, v6  }
0x23: {  	(xrf1) =	vsort.dscd.msk.f32 $0xffff, v5, v6;
	_ =	sdelay $0xd  }
0x24: {  	s14 =	sshra.s32 s11, $0x2;
	s11 =	smov.u32 s13;
	v5, v6, _ =	vpop (xrf1)  }
0x25: {  	[tilespmem:s14+$0x4480] =	vst v6;
	(xrf0) =	vmax.scan.msk.f32 $0xffff, v5;
	_ =	sdelay $0x5  }
0x26: {  	v6, _, _ =	vpop (xrf0)  }
0x27: {  	v6 =	vbroadcast v6, $0xF;
	_ =	sdelay $0x1  }
0x28: {  	v5 =	vsub.f32 v5, v6;
	_ =	sdelay $0x1  }
0x29: {  	v5 =	vmul.f32 $1.442695020e+00, v5;
	_ =	sdelay $0x1  }
0x2a: {  	(erf) = vpow2.f32 v5;
	_ =	sdelay $0x8  }
0x2b: {  	v5 =	vpop (erf)  }
0x2c: {  	v5 =	vnsel vm0, $0x0, v5  }
0x2d: {  	(xrf2) =	vadd.scan.msk.f32 $0xffff, v5;
	_ =	sdelay $0x9  }
0x2e: {  	v6, _, _ =	vpop (xrf2)  }
0x2f: {  	v6 =	vbroadcast v6, $0xF;
	_ =	sdelay $0x1  }
0x30: {  	(erf) = vrcp.f32 v6;
	_ =	sdelay $0x8  }
.Ltmp0:
0x31: {  	v6 =	vpop (erf);
	(pc) =	sbr.rel @p0 .LBB2_2-.Ltmp0, $3  }
0x32: {  	v5 =	vmul.f32 v6, v5;
	_ =	sdelay $0x1  }
0x33: {  	s12 =	sadd.s32 $0x80, s12;
	[tilespmem:s14+$0x4000] =	vst v5  }
0x34: {  	s13 =	sadd.s32 $0x20, s13;
	v5 =	vld [tilespmem:s12+$0x10]  }
0x35: {  	v6 =	vld [tilespmem:s12+$0xFFFFFFF0]  }
0x36: {  	v7 =	vld [tilespmem:s12+$0x0];
	_ =	sdelay $0x1  }
0x37: {  	v8 =	vld [tilespmem:s12+$0xFFFFFFE0]  }
0x38: {  	(xrf1) =	vsort.dscd.msk.f32 $0xffff, v5, v3  }
0x39: {  	(xrf1) =	vsort.dscd.msk.f32 $0xffff, v6, v1  }
0x3a: {  	(xrf1) =	vsort.dscd.msk.f32 $0xffff, v7, v2;
	_ =	sdelay $0x1  }
0x3b: {  	(xrf1) =	vsort.dscd.msk.f32 $0xffff, v8, v0;
	_ =	sdelay $0x9  }
0x3c: {  	v5, v6, _ =	vpop (xrf1)  }
0x3d: {  	v5 =	vperm.xlane v5, v4;
	v6 =	vperm.xlane v6, v4;
	v7, v60, _ =	vpop (xrf1)  }
0x3e: {  	v7 =	vperm.xlane v7, v4;
	v9, v10, _ =	vpop (xrf1)  }
0x3f: {  	v8 =	vperm.xlane v60, v4;
	v5 =	vsel vm0, v9, v5;
	v6 =	vsel vm0, v10, v6  }
0x40: {  	v61, v62, _ =	vpop (xrf1);
	(xrf1) =	vsort.dscd.msk.f32 $0xffff, v5, v6  }
0x41: {  	v5 =	vsel vm0, v61, v7;
	v6 =	vsel vm0, v62, v8  }
0x42: {  	(xrf1) =	vsort.dscd.msk.f32 $0xffff, v5, v6;
	_ =	sdelay $0xb  }
0x43: {  	v5, v6, _ =	vpop (xrf1)  }
0x44: {  	v5 =	vperm.xlane v5, v4;
	v6 =	vperm.xlane v6, v4  }
0x45: {  	v7, v63, _ =	vpop (xrf1)  }
0x46: {  	v5 =	vsel vm0, v7, v5;
	v6 =	vsel vm0, v63, v6  }
0x47: {  	(xrf1) =	vsort.dscd.msk.f32 $0xffff, v5, v6;
	_ =	sdelay $0xd  }
0x48: {  	v5, v6, _ =	vpop (xrf1)  }
0x49: {  	(xrf0) =	vmax.scan.msk.f32 $0xffff, v5;
	_ =	sdelay $0x5  }
0x4a: {  	v7, _, _ =	vpop (xrf0)  }
0x4b: {  	v7 =	vbroadcast v7, $0xF;
	_ =	sdelay $0x1  }
0x4c: {  	v5 =	vsub.f32 v5, v7;
	_ =	sdelay $0x1  }
0x4d: {  	v5 =	vmul.f32 $1.442695020e+00, v5;
	_ =	sdelay $0x1  }
0x4e: {  	(erf) = vpow2.f32 v5;
	_ =	sdelay $0x8  }
0x4f: {  	v5 =	vpop (erf)  }
0x50: {  	v5 =	vnsel vm0, $0x0, v5  }
0x51: {  	(xrf2) =	vadd.scan.msk.f32 $0xffff, v5;
	_ =	sdelay $0x9  }
0x52: {  	v7, _, _ =	vpop (xrf2)  }
0x53: {  	v7 =	vbroadcast v7, $0xF;
	_ =	sdelay $0x1  }
0x54: {  	(erf) = vrcp.f32 v7;
	_ =	sdelay $0x8  }
0x55: {  	v7 =	vpop (erf)  }
0x56: {  	s11 =	sshra.s32 s11, $0x2;
	v5 =	vmul.f32 v7, v5  }
0x57: {  	[tilespmem:s11+$0x4480] =	vst v6  }
0x58: {  	[tilespmem:s11+$0x4000] =	vst v5  }
0x59: {  	[hbm4b:s4+s2] =	stream.linear.scatter [tilespmem:s8], [sflag:$0x1], $0x400, $0x38;
	[tilespmem:$0x4900] =	vst v63  }
0x5a: {  	s10 =	sadd.s32 $0x1, s10;
	_ =	swait.ge [sflag:s7], $0x400  }
0x5b: {  	p0 =	sne.s32 s10, s6;
	[sflag:s7] =	ssyncset.done $0x0  }
.Ltmp1:
0x5c: {  	[sflag:s7] =	ssyncadd.s32 $0xFFFFFC00;
	(pc) =	sbr.rel @p0 .LBB2_1-.Ltmp1, $4  }
0x5d: {  	[hbm4b:s5+s2] =	stream.linear.scatter [tilespmem:s9], [sflag:$0x1], $0x400, $0x38;
	[tilespmem:$0x4900] =	vst v63  }
0x5e: {  	_ =	swait.ge [sflag:s7], $0x400  }
0x5f: {  	[sflag:s7] =	ssyncset.done $0x0  }
0x60: {  	[sflag:s7] =	ssyncadd.s32 $0xFFFFFC00  }
0x61: {  	_ =	sfence.sel $0x180000  }
0x62: {  	[bflag:$0x0] =	sbarrier.arrive $0xFFFF  }
0x63: {  	p0 =	sne.s32 s1, $0x0;
	_ =	strace $0x90000050  }
0x64: {  	s0 =	sadd.s32 @!p0 $0x100000, s0;
	[bflag:$0x2] =	sbarrier.arrive $0xFFFF  }
0x65: {  	[sflag:s0] =	ssyncadd.tile.s32 @!p0 $0x1;
	_ =	shalt  }
.Lfunc_end2:
_tile_overlayer_lowered:
.L_overlay_start_2:
0x66: {  	(tag) =	ssettag $0x2  }
0x67: {  	s0 =	rddreg [dreg:$0x0];
	s2 =	stileid.u32  }
0x68: {  	s1 =	rddreg [dreg:$0x1];
	p0 =	sne.s32 s2, $0x0  }
0x69: {  	s3 =	rddreg [dreg:$0x2];
	[bflag:$0x3] =	sbarrier.arrive $0xFFFF;
	s2 =	simm.s32 @!p0 $0x1C01  }
0x6a: {  	[timem:s3], [sflag:s2] =	dma.local @!p0 [hbm:s0], s1  }
0x6b: {  	s0 =	simm.s32 @!p0 $0x1  }
0x6c: {  	_ =	swait.ge @!p0 [sflag:s0], s1  }
0x6d: {  	s1 =	ssub.s32 @!p0 $0x0, s1;
	[sflag:s0] =	ssyncset.done @!p0 $0x0  }
0x6e: {  	[sflag:s0] =	ssyncadd.s32 @!p0 s1  }
0x6f: {  	[bflag:$0x3] =	sbarrier.arrive $0xFFFF  }
0x70: {  	_ =	shalt  }

// kernel: kernel.13.cloned.1.call-start
scs
__scs_entry_jumppad:
0x0: {  	(pc) =	sbr.rel $0x88, $3  }
0x1: {  	(tag) =	ssettag $0x0;
	lr =	simm.s32 $0x1  }
0x2: {  	[smem:$0x3F9F] =	sst lr;
	_ =	strace $0xD0000000  }
0x3: {  	_ = 	snop  }
0x4: {  	_ = 	snop  }
0x5: {  	_ = 	snop  }
0x6: {  	_ = 	snop  }
0x7: {  	_ = 	snop  }
__scs_overlays_trampoline_lowered:
0x8: {  	[smem:$0x3FAE] =	sst s0  }
0x9: {  	[smem:$0x3FAF] =	sst s1  }
0xa: {  	[smem:$0x3FB0] =	sst s2  }
0xb: {  	[smem:$0x3FB1] =	sst s3  }
0xc: {  	[smem:$0x3FB2] =	sst s4  }
0xd: {  	[smem:$0x3FB3] =	sst s5  }
0xe: {  	[smem:$0x3FB4] =	sst s6  }
0xf: {  	[smem:$0x3FB5] =	sst s7  }
0x10: {  	[smem:$0x3FB6] =	sst s8  }
0x11: {  	[smem:$0x3FB7] =	sst s9;
	s0 =	simm.s32 @!p0 $0x0  }
0x12: {  	s1 =	sld [smem:$0x3F9D];
	s0 =	simm.s32 @p0 $0x1  }
0x13: {  	[smem:$0x3FB8] =	sst s0;
	s0 =	simm.s32 @!p1 $0x0  }
0x14: {  	s2 =	sld [smem:$0x3F9C];
	s0 =	simm.s32 @p1 $0x1  }
0x15: {  	[smem:$0x3FB9] =	sst s0;
	s0 =	simm.s32 @!p2 $0x0  }
0x16: {  	s3 =	sld [smem:$0x3FDB];
	s0 =	simm.s32 @p2 $0x1  }
0x17: {  	s4 =	simm.s32 $0x1BF5;
	[smem:$0x3FBB] =	sst s0  }
0x18: {  	s0 =	sld [smem:$0x3F9E];
	_ =	swait.ge [sflag:s4], $0x0  }
0x19: {  	s7 =	sld [smem:$0x3F9F]  }
0x1a: {  	s8 =	sadd.s32 $0xFFFFE003, lr  }
0x1b: {  	s9 =	sadd.s32 $0xFFFFFEF7, lr;
	s5 =	simm.s32 $0xFFFFFFFF;
	p2 =	slt.u32 s8, $0xFFFFF086  }
0x1c: {  	p1 =	slt.u32 s9, $0xF7A;
	s5 =	simm.s32 @!p2 $0x0  }
0x1d: {  	s5 =	simm.s32 @p1 $0x1;
	p0 =	seq.s32 s7, s2  }
0x1e: {  	s7 =	smul.u32 @!p0 $0xF7A, s2;
	p2 =	seq.s32 @!p0 s5, $0x0  }
0x1f: {  	s9 =	smul.u32 $0xF7A, s1;
	s8 =	simm.s32 @!p0 $0x1BF5;
	p2 =	por !p2, p0  }
0x20: {  	[sflag:s8] =	ssyncset.s32 @!p0 $0xFFFFF086;
	s6 =	sadd.s32 @!p0 s3, s7;
	s7 =	simm.s32 @!p0 $0x108  }
0x21: {  	s3 =	sadd.s32 s3, s9;
	s6 =	sadd.s32 @!p0 $0x88, s6;
	s7 =	simm.s32 @p2 $0x1082  }
0x22: {  	[simem:s7], [sflag:s8] =	dma.local @!p0 [hbm:s6], $0xF7A  }
0x23: {  	s9 =	sor.u32 $0xD0000000, s2;
	s6 =	simm.s32 $0x108;
	_ =	swait.ge @!p0 [sflag:s8], $0x0  }
0x24: {  	s3 =	sadd.s32 $0x88, s3;
	s6 =	simm.s32 @!p1 $0x1082;
	[sflag:s4] =	ssyncset.s32 $0xFFFFF086  }
0x25: {  	[simem:s6], [sflag:s4] =	dma.local [hbm:s3], $0xF7A  }
0x26: {  	[smem:$0x3F9F] =	sst s1;
	(tag) =	ssettag s2;
	_ =	strace s9  }
0x27: {  	s1 =	sld [smem:$0x3FAF]  }
0x28: {  	s2 =	sld [smem:$0x3FB0]  }
0x29: {  	s4 =	sld [smem:$0x3FB2]  }
0x2a: {  	p0 =	seq.s32 s5, $0x0;
	s5 =	sld [smem:$0x3FB3]  }
0x2b: {  	s6 =	sld [smem:$0x3FB4]  }
0x2c: {  	s7 =	sld [smem:$0x3FB5]  }
0x2d: {  	s3 =	simm.s32 $0x108;
	s8 =	sld [smem:$0x3FB6]  }
0x2e: {  	s3 =	simm.s32 @!p0 $0x1082;
	s9 =	sld [smem:$0x3FB7]  }
0x2f: {  	lr =	sadd.s32 s0, s3;
	s0 =	sld [smem:$0x3FAE]  }
0x30: {  	s3 =	sld [smem:$0x3FB1]  }
0x31: {  	[smem:$0x3FBA] =	sst s10  }
0x32: {  	s10 =	sld [smem:$0x3FB8];
	_ =	sdelay $0x3  }
0x33: {  	p0 =	seq.s32 s10, $0x1;
	s10 =	sld [smem:$0x3FBA];
	_ =	sdelay $0x3  }
0x34: {  	[smem:$0x3FBA] =	sst s10  }
0x35: {  	s10 =	sld [smem:$0x3FB9];
	_ =	sdelay $0x3  }
0x36: {  	p1 =	seq.s32 s10, $0x1;
	s10 =	sld [smem:$0x3FBA];
	_ =	sdelay $0x3  }
0x37: {  	[smem:$0x3FBA] =	sst s10  }
0x38: {  	s10 =	sld [smem:$0x3FBB]  }
0x39: {  	_ = 	snop;
	(pc) =	sbr.ind lr, $3  }
0x3a: {  	_ = 	snop  }
0x3b: {  	_ = 	snop  }
0x3c: {  	p2 =	seq.s32 s10, $0x1;
	s10 =	sld [smem:$0x3FBA]  }
0x3d: {  	_ =	shalt  }
0x3e: {  	_ =	shalt  }
0x3f: {  	_ =	shalt  }
0x40: {  	_ =	shalt  }
0x41: {  	_ =	shalt  }
0x42: {  	_ =	shalt  }
0x43: {  	_ =	shalt  }
0x44: {  	_ =	shalt  }
0x45: {  	_ =	shalt  }
0x46: {  	_ =	shalt  }
0x47: {  	_ =	shalt  }
0x48: {  	_ =	shalt  }
0x49: {  	_ =	shalt  }
0x4a: {  	_ =	shalt  }
0x4b: {  	_ =	shalt  }
0x4c: {  	_ =	shalt  }
0x4d: {  	_ =	shalt  }
0x4e: {  	_ =	shalt  }
0x4f: {  	_ =	shalt  }
0x50: {  	_ =	shalt  }
0x51: {  	_ =	shalt  }
0x52: {  	_ =	shalt  }
0x53: {  	_ =	shalt  }
0x54: {  	_ =	shalt  }
0x55: {  	_ =	shalt  }
0x56: {  	_ =	shalt  }
0x57: {  	_ =	shalt  }
0x58: {  	_ =	shalt  }
0x59: {  	_ =	shalt  }
0x5a: {  	_ =	shalt  }
0x5b: {  	_ =	shalt  }
0x5c: {  	_ =	shalt  }
0x5d: {  	_ =	shalt  }
0x5e: {  	_ =	shalt  }
0x5f: {  	_ =	shalt  }
0x60: {  	_ =	shalt  }
0x61: {  	_ =	shalt  }
0x62: {  	_ =	shalt  }
0x63: {  	_ =	shalt  }
0x64: {  	_ =	shalt  }
0x65: {  	_ =	shalt  }
0x66: {  	_ =	shalt  }
0x67: {  	_ =	shalt  }
0x68: {  	_ =	shalt  }
0x69: {  	_ =	shalt  }
0x6a: {  	_ =	shalt  }
0x6b: {  	_ =	shalt  }
0x6c: {  	_ =	shalt  }
0x6d: {  	_ =	shalt  }
0x6e: {  	_ =	shalt  }
0x6f: {  	_ =	shalt  }
0x70: {  	_ =	shalt  }
0x71: {  	_ =	shalt  }
0x72: {  	_ =	shalt  }
0x73: {  	_ =	shalt  }
0x74: {  	_ =	shalt  }
0x75: {  	_ =	shalt  }
0x76: {  	_ =	shalt  }
0x77: {  	_ =	shalt  }
0x78: {  	_ =	shalt  }
0x79: {  	_ =	shalt  }
0x7a: {  	_ =	shalt  }
0x7b: {  	_ =	shalt  }
0x7c: {  	_ =	shalt  }
0x7d: {  	_ =	shalt  }
0x7e: {  	_ =	shalt  }
0x7f: {  	_ =	shalt  }
0x80: {  	_ =	shalt  }
0x81: {  	_ =	shalt  }
0x82: {  	_ =	shalt  }
0x83: {  	_ =	shalt  }
0x84: {  	_ =	shalt  }
0x85: {  	_ =	shalt  }
0x86: {  	_ =	shalt  }
0x87: {  	_ =	shalt  }
.Lfunc_end0:
.L_simem_size_0:
called_computation.1_lowered:
.L_overlay_start_0:
0x88: {  	s2 =	sld [smem:$0x3FD9]  }
0x89: {  	s3 =	sld [smem:$0x3FFE];
	_ =	sdelay $0x1  }
0x8a: {  	s1 =	srdreg.scid  }
0x8b: {  	s0 =	sand.u32 $0x1, s1  }
0x8c: {  	s17 =	sshll.u32 s0, $0xA;
	s2 =	sadd.s32 s3, s2  }
0x8d: {  	s2 =	sadd.s32 s2, s17  }
0x8e: {  	[smem:$0x3FC6] =	sst s2  }
0x8f: {  	_ = 	snop  }
0x90: {  	(tm) =	ssettm $0x1  }
0x91: {  	s18 =	sld [smem:$0x3FFB];
	_ =	sdelay $0x3  }
0x92: {  	_ =	strace s18  }
0x93: {  	s2 =	sld [smem:$0x3FFC];
	_ =	sdelay $0x3  }
0x94: {  	_ =	strace s2  }
0x95: {  	s2 =	sld [smem:$0x3FFD];
	_ =	sdelay $0x3  }
0x96: {  	_ =	strace s2  }
0x97: {  	_ =	strace $0x8FFFFFFF  }
0x98: {  	s19 =	sld [smem:$0x3FDB];
	_ =	sdelay $0x1  }
0x99: {  	s20 =	simm.s32 $_scs_section_size  }
0x9a: {  	s4 =	simm.s32 $_size__tile_overlayer_lowered;
	s5 =	simm.s32 $_tile_overlayer_lowered  }
0x9b: {  	s6 =	simm.s32 $0x1BFF;
	s21 =	sshll.u32 s5, $0x1;
	s3 =	sadd.s32 s20, s19  }
0x9c: {  	s22 =	simm.s32 $0x0;
	s4 =	sshll.u32 s4, $0x1;
	s5 =	sadd.s32 s21, s3  }
0x9d: {  	[timem:s22], [sflag:s6] =	dma.local [hbm:s5], s4  }
0x9e: {  	_ =	swait.ge [sflag:s6], s4  }
0x9f: {  	s4 =	ssub.s32 $0x0, s4;
	[sflag:s6] =	ssyncset.done $0x0  }
0xa0: {  	[sflag:s6] =	ssyncadd.s32 s4;
	_ =	sdelay $0x1  }
0xa1: {  	s23 =	simm.s32 $0x1B8B  }
0xa2: {  	_ =	swait.ge [sflag:s23], $0x1  }
0xa3: {  	[sflag:s23] =	ssyncset.done $0x0  }
0xa4: {  	[sflag:s23] =	ssyncadd.s32 $0xFFFFFFFF  }
0xa5: {  	s4 =	sld [smem:$0x0]  }
0xa6: {  	s5 =	sand.u32 $0xFFFFFFFE, s1  }
0xa7: {  	p0 =	sne.s32 s1, s5  }
0xa8: {  	s5 =	sshll.u32 @p0 s5, $0xE  }
0xa9: {  	s5 =	sadd.s32 @p0 $0x11B8D, s5;
	s6 =	sshll.u32 @p0 s4, $0x11  }
0xaa: {  	s5 =	sor.u32 @p0 s6, s5  }
0xab: {  	[sflag:s5] =	ssyncadd.remote.s32 @p0 $0x1;
	_ =	sdelay $0x1  }
0xac: {  	s5 =	simm.s32 @p0 $0x1B8D  }
0xad: {  	_ =	swait.eq @p0 [sflag:s5], $0x1  }
0xae: {  	[sflag:s5] =	ssyncadd.s32 @p0 $0xFFFFFFFF  }
0xaf: {  	s6 =	sshll.u32 @!p0 s1, $0xE  }
0xb0: {  	s6 =	sor.u32 @!p0 $0x4000, s6;
	s5 =	simm.s32 @!p0 $0x1B8D  }
0xb1: {  	s4 =	sshll.u32 @!p0 s4, $0x11;
	s6 =	sadd.s32 @!p0 $0x11B8D, s6;
	_ =	swait.eq @!p0 [sflag:s5], $0x1  }
0xb2: {  	s4 =	sor.u32 @!p0 s4, s6;
	[sflag:s5] =	ssyncadd.s32 @!p0 $0xFFFFFFFF  }
0xb3: {  	s25 =	simm.s32 $0x1B8E;
	s24 =	sld [smem:$0x3FFE];
	[sflag:s4] =	ssyncadd.remote.s32 @!p0 $0x1  }
0xb4: {  	s26 =	simm.s32 $execute0_lowered;
	[smem:$0x3FD2] =	sst s25  }
0xb5: {  	s5 =	sshll.u32 s26, $0x1;
	_ =	strace $0x8000004C;
	[dreg:$0x1] =	wrdreg $0xFFFFFFFF  }
0xb6: {  	s28 =	simm.s32 $_size_execute0_lowered;
	s3 =	sadd.s32 s3, s5;
	[dreg:$0x0] =	wrdreg $0x0  }
0xb7: {  	s5 =	sshll.u32 s28, $0x1;
	[dreg:$0x2] =	wrdreg s3  }
0xb8: {  	[dreg:$0x3] =	wrdreg s5  }
0xb9: {  	[dreg:$0x4] =	wrdreg $0xC0  }
0xba: {  	_ =	task [dreg:s22], $0x5FFFF  }
0xbb: {  	[dreg:$0x1] =	wrdreg $0xFFFFFFFF  }
0xbc: {  	[dreg:$0x0] =	wrdreg $0x60  }
0xbd: {  	[dreg:$0x2] =	wrdreg s24  }
0xbe: {  	[dreg:$0x3] =	wrdreg $0xA  }
0xbf: {  	_ =	task.clear_ibuf [dreg:s22], $0x4FFFF;
	_ =	strace $0x9000004C  }
0xc0: {  	s29 =	simm.s32 $0xA;
	_ =	strace $0x8000004E  }
0xc1: {  	_ =	swait.ge [sflag:s29], $0x1  }
0xc2: {  	[sflag:s29] =	ssyncadd.s32 $0xFFFFFFFF  }
0xc3: {  	_ =	strace $0x9000004E  }
0xc4: {  	_ =	sfence  }
0xc5: {  	s30 =	sld [smem:$0x0];
	_ =	sdelay $0x2  }
0xc6: {  	s31 =	sshll.u32 s1, $0xD;
	s1 =	sshrl.u32 s1, $0x2  }
0xc7: {  	s4 =	sand.u32 $0x4000, s31;
	s1 =	sadd.s32 s1, s30  }
0xc8: {  	s0 =	sor.u32 s4, s0;
	s1 =	sshll.u32 s1, $0x11  }
0xc9: {  	s0 =	sor.u32 s1, s0  }
0xca: {  	s0 =	sadd.s32 $0x8F2B, s0  }
0xcb: {  	[sflag:s0] =	ssyncadd.remote.s32 $0x1  }
0xcc: {  	_ =	sfence.sel $0xFFFF  }
0xcd: {  	[dreg:$0x0] =	wrdreg $0xFFFFFFFF;
	(pc) =	sbr.abs _section_cstart, $3  }
0xce: {  	[dreg:$0x1] =	wrdreg $0xFFFFFFFF  }
0xcf: {  	_ =	task.clear_ibuf [dreg:s22], $0x2FFFF;
	_ =	strace $0x9FFFFFFF  }
0xd0: {  	(tm) =	ssettm $0x7FFFFFFF  }
0xd1: {  	_ =	shalt  }
tec
execute0_lowered:
.L_overlay_start_1:
0x0: {  	(tag) =	ssettag $0x1  }
0x1: {  	s3 =	rddreg [dreg:$0x0];
	v0 =	vimm.s32 $0xE40000  }
0x2: {  	s0 =	rddreg [dreg:$0x1];
	s2 =	simm.s32 $0x0;
	s4 =	srdreg.scid;
	v0 =	vunpack.c.l.s2.s4 v0  }
0x3: {  	s1 =	stileid.u32;
	s8 =	simm.s32 $0x4000;
	s9 =	simm.s32 $0x4480  }
0x4: {  	[smem:$0x7FF] =	sst s2;
	s4 =	sand.u32 $0x1, s4;
	s5 =	sshll.u32 s1, $0x1;
	v1 =	vunpack.c.l.s4.s8 v0  }
0x5: {  	s10 =	simm.s32 $0x0;
	_ =	strace $0x8000004D;
	s5 =	sor.u32 s4, s5  }
0x6: {  	v2 =	vimm.s32 $0x7060504;
	s4 =	ssub.s32 $0x2, s4;
	s6 =	sshll.u32 s5, $0xB;
	s5 =	sshll.u32 s5, $0x7;
	v3 =	vunpack.c.0.s8.s32 v1  }
0x7: {  	vm0 =	vcmask $0x3F30;
	v4 =	vunpack.c.0.s8.s32 v2;
	s31 =	sshrl.u32 s4, $0x1;
	v0 =	vlaneseq.u32;
	s6 =	sadd.s32 s6, s3;
	s5 =	sadd.s32 s5, s3  }
0x8: {  	s7 =	ssub.s32 s4, s31;
	v2 =	vor.u32 $0x20, v0;
	s3 =	sadd.s32 $0x27800, s6;
	s4 =	sadd.s32 $0x37800, s5;
	v1 =	vor.u32 $0x10, v0;
	v5 =	vand.u32 $0x3, v3  }
0x9: {  	s5 =	sadd.s32 $0x38800, s5;
	s6 =	smax.u32 s7, $0x1;
	s7 =	simm.s32 $0x1;
	v3 =	vor.u32 $0x30, v0;
	v4 =	vsel vm0, v4, v5;
	vm0 =	vmmov $0xff  }
.LBB2_1:
0xa: {  	[tilespmem:s2], [sflag:$0x1] =	stream.linear.gather [hbm4b:s3+s2], $0x4000, $0x38;
	[tilespmem:$0x4900] =	vst v63  }
0xb: {  	_ =	swait.ge [sflag:s7], $0x4000  }
0xc: {  	[sflag:s7] =	ssyncset.done $0x0  }
0xd: {  	s12 =	simm.s32 $0x20;
	[sflag:s7] =	ssyncadd.s32 $0xFFFFC000  }
0xe: {  	s13 =	simm.s32 $0x20;
	s11 =	simm.s32 $0x0;
	v5 =	vld [tilespmem:s12+$0x10]  }
.LBB2_2:
0xf: {  	p0 =	sne.s32 s13, $0xFE0;
	v6 =	vld [tilespmem:s12+$0xFFFFFFF0]  }
0x10: {  	v7 =	vld [tilespmem:s12+$0x0];
	_ =	sdelay $0x1  }
0x11: {  	v8 =	vld [tilespmem:s12+$0xFFFFFFE0]  }
0x12: {  	(xrf1) =	vsort.dscd.msk.f32 $0xffff, v5, v3  }
0x13: {  	(xrf1) =	vsort.dscd.msk.f32 $0xffff, v6, v1  }
0x14: {  	(xrf1) =	vsort.dscd.msk.f32 $0xffff, v7, v2;
	_ =	sdelay $0x1  }
0x15: {  	(xrf1) =	vsort.dscd.msk.f32 $0xffff, v8, v0;
	_ =	sdelay $0x9  }
0x16: {  	v5, v6, _ =	vpop (xrf1)  }
0x17: {  	v5 =	vperm.xlane v5, v4;
	v6 =	vperm.xlane v6, v4;
	v7, v8, _ =	vpop (xrf1)  }
0x18: {  	v7 =	vperm.xlane v7, v4;
	v9, v10, _ =	vpop (xrf1)  }
0x19: {  	v8 =	vperm.xlane v8, v4;
	v5 =	vsel vm0, v9, v5;
	v6 =	vsel vm0, v10, v6  }
0x1a: {  	v9, v10, _ =	vpop (xrf1);
	(xrf1) =	vsort.dscd.msk.f32 $0xffff, v5, v6  }
0x1b: {  	v5 =	vsel vm0, v9, v7;
	v6 =	vsel vm0, v10, v8  }
0x1c: {  	(xrf1) =	vsort.dscd.msk.f32 $0xffff, v5, v6;
	_ =	sdelay $0xb  }
0x1d: {  	v5, v6, _ =	vpop (xrf1)  }
0x1e: {  	v5 =	vperm.xlane v5, v4;
	v6 =	vperm.xlane v6, v4  }
0x1f: {  	v7, v8, _ =	vpop (xrf1)  }
0x20: {  	v5 =	vsel vm0, v7, v5;
	v6 =	vsel vm0, v8, v6  }
0x21: {  	(xrf1) =	vsort.dscd.msk.f32 $0xffff, v5, v6;
	_ =	sdelay $0xd  }
0x22: {  	s14 =	sshra.s32 s11, $0x2;
	s11 =	smov.u32 s13;
	v5, v6, _ =	vpop (xrf1)  }
0x23: {  	[tilespmem:s14+$0x4480] =	vst v6;
	(xrf0) =	vmax.scan.msk.f32 $0xffff, v5;
	_ =	sdelay $0x5  }
0x24: {  	v6, _, _ =	vpop (xrf0)  }
0x25: {  	v6 =	vbroadcast v6, $0xF;
	_ =	sdelay $0x1  }
0x26: {  	v5 =	vsub.f32 v5, v6;
	_ =	sdelay $0x1  }
0x27: {  	v5 =	vmul.f32 $1.442695020e+00, v5;
	_ =	sdelay $0x1  }
0x28: {  	(erf) = vpow2.f32 v5;
	_ =	sdelay $0x8  }
0x29: {  	v5 =	vpop (erf)  }
0x2a: {  	v5 =	vnsel vm0, $0x0, v5  }
0x2b: {  	(xrf2) =	vadd.scan.msk.f32 $0xffff, v5;
	_ =	sdelay $0x9  }
0x2c: {  	v6, _, _ =	vpop (xrf2)  }
0x2d: {  	v6 =	vbroadcast v6, $0xF;
	_ =	sdelay $0x1  }
0x2e: {  	(erf) = vrcp.f32 v6;
	_ =	sdelay $0x8  }
.Ltmp0:
0x2f: {  	v6 =	vpop (erf);
	(pc) =	sbr.rel @p0 .LBB2_2-.Ltmp0, $3  }
0x30: {  	v5 =	vmul.f32 v6, v5;
	_ =	sdelay $0x1  }
0x31: {  	s12 =	sadd.s32 $0x80, s12;
	[tilespmem:s14+$0x4000] =	vst v5  }
0x32: {  	s13 =	sadd.s32 $0x20, s13;
	v5 =	vld [tilespmem:s12+$0x10]  }
0x33: {  	v6 =	vld [tilespmem:s12+$0xFFFFFFF0]  }
0x34: {  	v7 =	vld [tilespmem:s12+$0x0];
	_ =	sdelay $0x1  }
0x35: {  	v8 =	vld [tilespmem:s12+$0xFFFFFFE0]  }
0x36: {  	(xrf1) =	vsort.dscd.msk.f32 $0xffff, v5, v3  }
0x37: {  	(xrf1) =	vsort.dscd.msk.f32 $0xffff, v6, v1  }
0x38: {  	(xrf1) =	vsort.dscd.msk.f32 $0xffff, v7, v2;
	_ =	sdelay $0x1  }
0x39: {  	(xrf1) =	vsort.dscd.msk.f32 $0xffff, v8, v0;
	_ =	sdelay $0x9  }
0x3a: {  	v5, v6, _ =	vpop (xrf1)  }
0x3b: {  	v5 =	vperm.xlane v5, v4;
	v6 =	vperm.xlane v6, v4;
	v7, v60, _ =	vpop (xrf1)  }
0x3c: {  	v7 =	vperm.xlane v7, v4;
	v9, v10, _ =	vpop (xrf1)  }
0x3d: {  	v8 =	vperm.xlane v60, v4;
	v5 =	vsel vm0, v9, v5;
	v6 =	vsel vm0, v10, v6  }
0x3e: {  	v61, v62, _ =	vpop (xrf1);
	(xrf1) =	vsort.dscd.msk.f32 $0xffff, v5, v6  }
0x3f: {  	v5 =	vsel vm0, v61, v7;
	v6 =	vsel vm0, v62, v8  }
0x40: {  	(xrf1) =	vsort.dscd.msk.f32 $0xffff, v5, v6;
	_ =	sdelay $0xb  }
0x41: {  	v5, v6, _ =	vpop (xrf1)  }
0x42: {  	v5 =	vperm.xlane v5, v4;
	v6 =	vperm.xlane v6, v4  }
0x43: {  	v7, v63, _ =	vpop (xrf1)  }
0x44: {  	v5 =	vsel vm0, v7, v5;
	v6 =	vsel vm0, v63, v6  }
0x45: {  	(xrf1) =	vsort.dscd.msk.f32 $0xffff, v5, v6;
	_ =	sdelay $0xd  }
0x46: {  	v5, v6, _ =	vpop (xrf1)  }
0x47: {  	(xrf0) =	vmax.scan.msk.f32 $0xffff, v5;
	_ =	sdelay $0x5  }
0x48: {  	v7, _, _ =	vpop (xrf0)  }
0x49: {  	v7 =	vbroadcast v7, $0xF;
	_ =	sdelay $0x1  }
0x4a: {  	v5 =	vsub.f32 v5, v7;
	_ =	sdelay $0x1  }
0x4b: {  	v5 =	vmul.f32 $1.442695020e+00, v5;
	_ =	sdelay $0x1  }
0x4c: {  	(erf) = vpow2.f32 v5;
	_ =	sdelay $0x8  }
0x4d: {  	v5 =	vpop (erf)  }
0x4e: {  	v5 =	vnsel vm0, $0x0, v5  }
0x4f: {  	(xrf2) =	vadd.scan.msk.f32 $0xffff, v5;
	_ =	sdelay $0x9  }
0x50: {  	v7, _, _ =	vpop (xrf2)  }
0x51: {  	v7 =	vbroadcast v7, $0xF;
	_ =	sdelay $0x1  }
0x52: {  	(erf) = vrcp.f32 v7;
	_ =	sdelay $0x8  }
0x53: {  	v7 =	vpop (erf)  }
0x54: {  	s11 =	sshra.s32 s11, $0x2;
	v5 =	vmul.f32 v7, v5  }
0x55: {  	[tilespmem:s11+$0x4480] =	vst v6  }
0x56: {  	[tilespmem:s11+$0x4000] =	vst v5  }
0x57: {  	[hbm4b:s4+s2] =	stream.linear.scatter [tilespmem:s8], [sflag:$0x1], $0x400, $0x38;
	[tilespmem:$0x4900] =	vst v63  }
0x58: {  	s10 =	sadd.s32 $0x1, s10;
	_ =	swait.ge [sflag:s7], $0x400  }
0x59: {  	p0 =	sne.s32 s10, s6;
	[sflag:s7] =	ssyncset.done $0x0  }
.Ltmp1:
0x5a: {  	[sflag:s7] =	ssyncadd.s32 $0xFFFFFC00;
	(pc) =	sbr.rel @p0 .LBB2_1-.Ltmp1, $4  }
0x5b: {  	[hbm4b:s5+s2] =	stream.linear.scatter [tilespmem:s9], [sflag:$0x1], $0x400, $0x38;
	[tilespmem:$0x4900] =	vst v63  }
0x5c: {  	_ =	swait.ge [sflag:s7], $0x400  }
0x5d: {  	[sflag:s7] =	ssyncset.done $0x0  }
0x5e: {  	[sflag:s7] =	ssyncadd.s32 $0xFFFFFC00  }
0x5f: {  	_ =	sfence.sel $0x180000  }
0x60: {  	[bflag:$0x0] =	sbarrier.arrive $0xFFFF  }
0x61: {  	p0 =	sne.s32 s1, $0x0;
	_ =	strace $0x9000004D  }
0x62: {  	s0 =	sadd.s32 @!p0 $0x100000, s0;
	[bflag:$0x2] =	sbarrier.arrive $0xFFFF  }
0x63: {  	[sflag:s0] =	ssyncadd.tile.s32 @!p0 $0x1;
	_ =	shalt  }
.Lfunc_end2:
_tile_overlayer_lowered:
.L_overlay_start_2:
0x64: {  	(tag) =	ssettag $0x2  }
0x65: {  	s0 =	rddreg [dreg:$0x0];
	s2 =	stileid.u32  }
0x66: {  	s1 =	rddreg [dreg:$0x1];
	p0 =	sne.s32 s2, $0x0  }
0x67: {  	s3 =	rddreg [dreg:$0x2];
	[bflag:$0x3] =	sbarrier.arrive $0xFFFF;
	s2 =	simm.s32 @!p0 $0x1C01  }
0x68: {  	[timem:s3], [sflag:s2] =	dma.local @!p0 [hbm:s0], s1  }
0x69: {  	s0 =	simm.s32 @!p0 $0x1  }
0x6a: {  	_ =	swait.ge @!p0 [sflag:s0], s1  }
0x6b: {  	s1 =	ssub.s32 @!p0 $0x0, s1;
	[sflag:s0] =	ssyncset.done @!p0 $0x0  }
0x6c: {  	[sflag:s0] =	ssyncadd.s32 @!p0 s1  }
0x6d: {  	[bflag:$0x3] =	sbarrier.arrive $0xFFFF  }
0x6e: {  	_ =	shalt  }

// kernel: kernel.16.cloned.1.call-start
scs
__scs_entry_jumppad:
0x0: {  	(pc) =	sbr.rel $0x88, $3  }
0x1: {  	(tag) =	ssettag $0x0;
	lr =	simm.s32 $0x1  }
0x2: {  	[smem:$0x3F9F] =	sst lr;
	_ =	strace $0xD0000000  }
0x3: {  	_ = 	snop  }
0x4: {  	_ = 	snop  }
0x5: {  	_ = 	snop  }
0x6: {  	_ = 	snop  }
0x7: {  	_ = 	snop  }
__scs_overlays_trampoline_lowered:
0x8: {  	[smem:$0x3FAE] =	sst s0  }
0x9: {  	[smem:$0x3FAF] =	sst s1  }
0xa: {  	[smem:$0x3FB0] =	sst s2  }
0xb: {  	[smem:$0x3FB1] =	sst s3  }
0xc: {  	[smem:$0x3FB2] =	sst s4  }
0xd: {  	[smem:$0x3FB3] =	sst s5  }
0xe: {  	[smem:$0x3FB4] =	sst s6  }
0xf: {  	[smem:$0x3FB5] =	sst s7  }
0x10: {  	[smem:$0x3FB6] =	sst s8  }
0x11: {  	[smem:$0x3FB7] =	sst s9;
	s0 =	simm.s32 @!p0 $0x0  }
0x12: {  	s1 =	sld [smem:$0x3F9D];
	s0 =	simm.s32 @p0 $0x1  }
0x13: {  	[smem:$0x3FB8] =	sst s0;
	s0 =	simm.s32 @!p1 $0x0  }
0x14: {  	s2 =	sld [smem:$0x3F9C];
	s0 =	simm.s32 @p1 $0x1  }
0x15: {  	[smem:$0x3FB9] =	sst s0;
	s0 =	simm.s32 @!p2 $0x0  }
0x16: {  	s3 =	sld [smem:$0x3FDB];
	s0 =	simm.s32 @p2 $0x1  }
0x17: {  	s4 =	simm.s32 $0x1BF5;
	[smem:$0x3FBB] =	sst s0  }
0x18: {  	s0 =	sld [smem:$0x3F9E];
	_ =	swait.ge [sflag:s4], $0x0  }
0x19: {  	s7 =	sld [smem:$0x3F9F]  }
0x1a: {  	s8 =	sadd.s32 $0xFFFFE003, lr  }
0x1b: {  	s9 =	sadd.s32 $0xFFFFFEF7, lr;
	s5 =	simm.s32 $0xFFFFFFFF;
	p2 =	slt.u32 s8, $0xFFFFF086  }
0x1c: {  	p1 =	slt.u32 s9, $0xF7A;
	s5 =	simm.s32 @!p2 $0x0  }
0x1d: {  	s5 =	simm.s32 @p1 $0x1;
	p0 =	seq.s32 s7, s2  }
0x1e: {  	s7 =	smul.u32 @!p0 $0xF7A, s2;
	p2 =	seq.s32 @!p0 s5, $0x0  }
0x1f: {  	s9 =	smul.u32 $0xF7A, s1;
	s8 =	simm.s32 @!p0 $0x1BF5;
	p2 =	por !p2, p0  }
0x20: {  	[sflag:s8] =	ssyncset.s32 @!p0 $0xFFFFF086;
	s6 =	sadd.s32 @!p0 s3, s7;
	s7 =	simm.s32 @!p0 $0x108  }
0x21: {  	s3 =	sadd.s32 s3, s9;
	s6 =	sadd.s32 @!p0 $0x88, s6;
	s7 =	simm.s32 @p2 $0x1082  }
0x22: {  	[simem:s7], [sflag:s8] =	dma.local @!p0 [hbm:s6], $0xF7A  }
0x23: {  	s9 =	sor.u32 $0xD0000000, s2;
	s6 =	simm.s32 $0x108;
	_ =	swait.ge @!p0 [sflag:s8], $0x0  }
0x24: {  	s3 =	sadd.s32 $0x88, s3;
	s6 =	simm.s32 @!p1 $0x1082;
	[sflag:s4] =	ssyncset.s32 $0xFFFFF086  }
0x25: {  	[simem:s6], [sflag:s4] =	dma.local [hbm:s3], $0xF7A  }
0x26: {  	[smem:$0x3F9F] =	sst s1;
	(tag) =	ssettag s2;
	_ =	strace s9  }
0x27: {  	s1 =	sld [smem:$0x3FAF]  }
0x28: {  	s2 =	sld [smem:$0x3FB0]  }
0x29: {  	s4 =	sld [smem:$0x3FB2]  }
0x2a: {  	p0 =	seq.s32 s5, $0x0;
	s5 =	sld [smem:$0x3FB3]  }
0x2b: {  	s6 =	sld [smem:$0x3FB4]  }
0x2c: {  	s7 =	sld [smem:$0x3FB5]  }
0x2d: {  	s3 =	simm.s32 $0x108;
	s8 =	sld [smem:$0x3FB6]  }
0x2e: {  	s3 =	simm.s32 @!p0 $0x1082;
	s9 =	sld [smem:$0x3FB7]  }
0x2f: {  	lr =	sadd.s32 s0, s3;
	s0 =	sld [smem:$0x3FAE]  }
0x30: {  	s3 =	sld [smem:$0x3FB1]  }
0x31: {  	[smem:$0x3FBA] =	sst s10  }
0x32: {  	s10 =	sld [smem:$0x3FB8];
	_ =	sdelay $0x3  }
0x33: {  	p0 =	seq.s32 s10, $0x1;
	s10 =	sld [smem:$0x3FBA];
	_ =	sdelay $0x3  }
0x34: {  	[smem:$0x3FBA] =	sst s10  }
0x35: {  	s10 =	sld [smem:$0x3FB9];
	_ =	sdelay $0x3  }
0x36: {  	p1 =	seq.s32 s10, $0x1;
	s10 =	sld [smem:$0x3FBA];
	_ =	sdelay $0x3  }
0x37: {  	[smem:$0x3FBA] =	sst s10  }
0x38: {  	s10 =	sld [smem:$0x3FBB]  }
0x39: {  	_ = 	snop;
	(pc) =	sbr.ind lr, $3  }
0x3a: {  	_ = 	snop  }
0x3b: {  	_ = 	snop  }
0x3c: {  	p2 =	seq.s32 s10, $0x1;
	s10 =	sld [smem:$0x3FBA]  }
0x3d: {  	_ =	shalt  }
0x3e: {  	_ =	shalt  }
0x3f: {  	_ =	shalt  }
0x40: {  	_ =	shalt  }
0x41: {  	_ =	shalt  }
0x42: {  	_ =	shalt  }
0x43: {  	_ =	shalt  }
0x44: {  	_ =	shalt  }
0x45: {  	_ =	shalt  }
0x46: {  	_ =	shalt  }
0x47: {  	_ =	shalt  }
0x48: {  	_ =	shalt  }
0x49: {  	_ =	shalt  }
0x4a: {  	_ =	shalt  }
0x4b: {  	_ =	shalt  }
0x4c: {  	_ =	shalt  }
0x4d: {  	_ =	shalt  }
0x4e: {  	_ =	shalt  }
0x4f: {  	_ =	shalt  }
0x50: {  	_ =	shalt  }
0x51: {  	_ =	shalt  }
0x52: {  	_ =	shalt  }
0x53: {  	_ =	shalt  }
0x54: {  	_ =	shalt  }
0x55: {  	_ =	shalt  }
0x56: {  	_ =	shalt  }
0x57: {  	_ =	shalt  }
0x58: {  	_ =	shalt  }
0x59: {  	_ =	shalt  }
0x5a: {  	_ =	shalt  }
0x5b: {  	_ =	shalt  }
0x5c: {  	_ =	shalt  }
0x5d: {  	_ =	shalt  }
0x5e: {  	_ =	shalt  }
0x5f: {  	_ =	shalt  }
0x60: {  	_ =	shalt  }
0x61: {  	_ =	shalt  }
0x62: {  	_ =	shalt  }
0x63: {  	_ =	shalt  }
0x64: {  	_ =	shalt  }
0x65: {  	_ =	shalt  }
0x66: {  	_ =	shalt  }
0x67: {  	_ =	shalt  }
0x68: {  	_ =	shalt  }
0x69: {  	_ =	shalt  }
0x6a: {  	_ =	shalt  }
0x6b: {  	_ =	shalt  }
0x6c: {  	_ =	shalt  }
0x6d: {  	_ =	shalt  }
0x6e: {  	_ =	shalt  }
0x6f: {  	_ =	shalt  }
0x70: {  	_ =	shalt  }
0x71: {  	_ =	shalt  }
0x72: {  	_ =	shalt  }
0x73: {  	_ =	shalt  }
0x74: {  	_ =	shalt  }
0x75: {  	_ =	shalt  }
0x76: {  	_ =	shalt  }
0x77: {  	_ =	shalt  }
0x78: {  	_ =	shalt  }
0x79: {  	_ =	shalt  }
0x7a: {  	_ =	shalt  }
0x7b: {  	_ =	shalt  }
0x7c: {  	_ =	shalt  }
0x7d: {  	_ =	shalt  }
0x7e: {  	_ =	shalt  }
0x7f: {  	_ =	shalt  }
0x80: {  	_ =	shalt  }
0x81: {  	_ =	shalt  }
0x82: {  	_ =	shalt  }
0x83: {  	_ =	shalt  }
0x84: {  	_ =	shalt  }
0x85: {  	_ =	shalt  }
0x86: {  	_ =	shalt  }
0x87: {  	_ =	shalt  }
.Lfunc_end0:
.L_simem_size_0:
called_computation.2_lowered:
.L_overlay_start_0:
0x88: {  	s2 =	sld [smem:$0x3FD9]  }
0x89: {  	s3 =	sld [smem:$0x3FFE];
	_ =	sdelay $0x1  }
0x8a: {  	s1 =	srdreg.scid  }
0x8b: {  	s0 =	sand.u32 $0x1, s1  }
0x8c: {  	s17 =	sshll.u32 s0, $0xA;
	s2 =	sadd.s32 s3, s2  }
0x8d: {  	s2 =	sadd.s32 s2, s17  }
0x8e: {  	[smem:$0x3FC6] =	sst s2  }
0x8f: {  	_ = 	snop  }
0x90: {  	(tm) =	ssettm $0x1  }
0x91: {  	s18 =	sld [smem:$0x3FFB];
	_ =	sdelay $0x3  }
0x92: {  	_ =	strace s18  }
0x93: {  	s2 =	sld [smem:$0x3FFC];
	_ =	sdelay $0x3  }
0x94: {  	_ =	strace s2  }
0x95: {  	s2 =	sld [smem:$0x3FFD];
	_ =	sdelay $0x3  }
0x96: {  	_ =	strace s2  }
0x97: {  	_ =	strace $0x8FFFFFFF  }
0x98: {  	s19 =	sld [smem:$0x3FDB];
	_ =	sdelay $0x1  }
0x99: {  	s20 =	simm.s32 $_scs_section_size  }
0x9a: {  	s4 =	simm.s32 $_size__tile_overlayer_lowered;
	s5 =	simm.s32 $_tile_overlayer_lowered  }
0x9b: {  	s6 =	simm.s32 $0x1BFF;
	s21 =	sshll.u32 s5, $0x1;
	s3 =	sadd.s32 s20, s19  }
0x9c: {  	s22 =	simm.s32 $0x0;
	s4 =	sshll.u32 s4, $0x1;
	s5 =	sadd.s32 s21, s3  }
0x9d: {  	[timem:s22], [sflag:s6] =	dma.local [hbm:s5], s4  }
0x9e: {  	_ =	swait.ge [sflag:s6], s4  }
0x9f: {  	s4 =	ssub.s32 $0x0, s4;
	[sflag:s6] =	ssyncset.done $0x0  }
0xa0: {  	[sflag:s6] =	ssyncadd.s32 s4;
	_ =	sdelay $0x1  }
0xa1: {  	s23 =	simm.s32 $0x1B8B  }
0xa2: {  	_ =	swait.ge [sflag:s23], $0x1  }
0xa3: {  	[sflag:s23] =	ssyncset.done $0x0  }
0xa4: {  	[sflag:s23] =	ssyncadd.s32 $0xFFFFFFFF  }
0xa5: {  	s4 =	sld [smem:$0x0]  }
0xa6: {  	s5 =	sand.u32 $0xFFFFFFFE, s1  }
0xa7: {  	p0 =	sne.s32 s1, s5  }
0xa8: {  	s5 =	sshll.u32 @p0 s5, $0xE  }
0xa9: {  	s5 =	sadd.s32 @p0 $0x11B8D, s5;
	s6 =	sshll.u32 @p0 s4, $0x11  }
0xaa: {  	s5 =	sor.u32 @p0 s6, s5  }
0xab: {  	[sflag:s5] =	ssyncadd.remote.s32 @p0 $0x1;
	_ =	sdelay $0x1  }
0xac: {  	s5 =	simm.s32 @p0 $0x1B8D  }
0xad: {  	_ =	swait.eq @p0 [sflag:s5], $0x1  }
0xae: {  	[sflag:s5] =	ssyncadd.s32 @p0 $0xFFFFFFFF  }
0xaf: {  	s6 =	sshll.u32 @!p0 s1, $0xE  }
0xb0: {  	s6 =	sor.u32 @!p0 $0x4000, s6;
	s5 =	simm.s32 @!p0 $0x1B8D  }
0xb1: {  	s4 =	sshll.u32 @!p0 s4, $0x11;
	s6 =	sadd.s32 @!p0 $0x11B8D, s6;
	_ =	swait.eq @!p0 [sflag:s5], $0x1  }
0xb2: {  	s4 =	sor.u32 @!p0 s4, s6;
	[sflag:s5] =	ssyncadd.s32 @!p0 $0xFFFFFFFF  }
0xb3: {  	s25 =	simm.s32 $0x1B8E;
	s24 =	sld [smem:$0x3FFE];
	[sflag:s4] =	ssyncadd.remote.s32 @!p0 $0x1  }
0xb4: {  	s26 =	simm.s32 $execute0_lowered;
	[smem:$0x3FD2] =	sst s25  }
0xb5: {  	s5 =	sshll.u32 s26, $0x1;
	_ =	strace $0x80000049;
	[dreg:$0x1] =	wrdreg $0xFFFFFFFF  }
0xb6: {  	s28 =	simm.s32 $_size_execute0_lowered;
	s3 =	sadd.s32 s3, s5;
	[dreg:$0x0] =	wrdreg $0x0  }
0xb7: {  	s5 =	sshll.u32 s28, $0x1;
	[dreg:$0x2] =	wrdreg s3  }
0xb8: {  	[dreg:$0x3] =	wrdreg s5  }
0xb9: {  	[dreg:$0x4] =	wrdreg $0xC0  }
0xba: {  	_ =	task [dreg:s22], $0x5FFFF  }
0xbb: {  	[dreg:$0x1] =	wrdreg $0xFFFFFFFF  }
0xbc: {  	[dreg:$0x0] =	wrdreg $0x60  }
0xbd: {  	[dreg:$0x2] =	wrdreg s24  }
0xbe: {  	[dreg:$0x3] =	wrdreg $0xB  }
0xbf: {  	_ =	task.clear_ibuf [dreg:s22], $0x4FFFF;
	_ =	strace $0x90000049  }
0xc0: {  	s29 =	simm.s32 $0xB;
	_ =	strace $0x8000004B  }
0xc1: {  	_ =	swait.ge [sflag:s29], $0x1  }
0xc2: {  	[sflag:s29] =	ssyncadd.s32 $0xFFFFFFFF  }
0xc3: {  	_ =	strace $0x9000004B  }
0xc4: {  	_ =	sfence  }
0xc5: {  	s30 =	sld [smem:$0x0];
	_ =	sdelay $0x2  }
0xc6: {  	s31 =	sshll.u32 s1, $0xD;
	s1 =	sshrl.u32 s1, $0x2  }
0xc7: {  	s4 =	sand.u32 $0x4000, s31;
	s1 =	sadd.s32 s1, s30  }
0xc8: {  	s0 =	sor.u32 s4, s0;
	s1 =	sshll.u32 s1, $0x11  }
0xc9: {  	s0 =	sor.u32 s1, s0  }
0xca: {  	s0 =	sadd.s32 $0x8F2B, s0  }
0xcb: {  	[sflag:s0] =	ssyncadd.remote.s32 $0x1  }
0xcc: {  	_ =	sfence.sel $0xFFFF  }
0xcd: {  	[dreg:$0x0] =	wrdreg $0xFFFFFFFF;
	(pc) =	sbr.abs _section_cstart, $3  }
0xce: {  	[dreg:$0x1] =	wrdreg $0xFFFFFFFF  }
0xcf: {  	_ =	task.clear_ibuf [dreg:s22], $0x2FFFF;
	_ =	strace $0x9FFFFFFF  }
0xd0: {  	(tm) =	ssettm $0x7FFFFFFF  }
0xd1: {  	_ =	shalt  }
tec
execute0_lowered:
.L_overlay_start_1:
0x0: {  	(tag) =	ssettag $0x1  }
0x1: {  	s3 =	rddreg [dreg:$0x0];
	v0 =	vimm.s32 $0xE40000  }
0x2: {  	s0 =	rddreg [dreg:$0x1];
	s2 =	simm.s32 $0x0;
	s4 =	srdreg.scid;
	v0 =	vunpack.c.l.s2.s4 v0  }
0x3: {  	s1 =	stileid.u32;
	s8 =	simm.s32 $0x4000;
	s9 =	simm.s32 $0x4480  }
0x4: {  	[smem:$0x7FF] =	sst s2;
	s4 =	sand.u32 $0x1, s4;
	s5 =	sshll.u32 s1, $0x1;
	v1 =	vunpack.c.l.s4.s8 v0  }
0x5: {  	s10 =	simm.s32 $0x0;
	_ =	strace $0x8000004A;
	s5 =	sor.u32 s4, s5  }
0x6: {  	v2 =	vimm.s32 $0x7060504;
	s4 =	ssub.s32 $0x2, s4;
	s6 =	sshll.u32 s5, $0xB;
	s5 =	sshll.u32 s5, $0x7;
	v3 =	vunpack.c.0.s8.s32 v1  }
0x7: {  	vm0 =	vcmask $0x3F30;
	v4 =	vunpack.c.0.s8.s32 v2;
	s31 =	sshrl.u32 s4, $0x1;
	v0 =	vlaneseq.u32;
	s6 =	sadd.s32 s6, s3;
	s5 =	sadd.s32 s5, s3  }
0x8: {  	s7 =	ssub.s32 s4, s31;
	v2 =	vor.u32 $0x20, v0;
	s3 =	sadd.s32 $0x15800, s6;
	s4 =	sadd.s32 $0x25800, s5;
	v1 =	vor.u32 $0x10, v0;
	v5 =	vand.u32 $0x3, v3  }
0x9: {  	s5 =	sadd.s32 $0x26800, s5;
	s6 =	smax.u32 s7, $0x1;
	s7 =	simm.s32 $0x1;
	v3 =	vor.u32 $0x30, v0;
	v4 =	vsel vm0, v4, v5;
	vm0 =	vmmov $0xff  }
.LBB2_1:
0xa: {  	[tilespmem:s2], [sflag:$0x1] =	stream.linear.gather [hbm4b:s3+s2], $0x4000, $0x38;
	[tilespmem:$0x4900] =	vst v63  }
0xb: {  	_ =	swait.ge [sflag:s7], $0x4000  }
0xc: {  	[sflag:s7] =	ssyncset.done $0x0  }
0xd: {  	s12 =	simm.s32 $0x20;
	[sflag:s7] =	ssyncadd.s32 $0xFFFFC000  }
0xe: {  	s13 =	simm.s32 $0x20;
	s11 =	simm.s32 $0x0;
	v5 =	vld [tilespmem:s12+$0x10]  }
.LBB2_2:
0xf: {  	p0 =	sne.s32 s13, $0xFE0;
	v6 =	vld [tilespmem:s12+$0xFFFFFFF0]  }
0x10: {  	v7 =	vld [tilespmem:s12+$0x0];
	_ =	sdelay $0x1  }
0x11: {  	v8 =	vld [tilespmem:s12+$0xFFFFFFE0]  }
0x12: {  	(xrf1) =	vsort.dscd.msk.f32 $0xffff, v5, v3  }
0x13: {  	(xrf1) =	vsort.dscd.msk.f32 $0xffff, v6, v1  }
0x14: {  	(xrf1) =	vsort.dscd.msk.f32 $0xffff, v7, v2;
	_ =	sdelay $0x1  }
0x15: {  	(xrf1) =	vsort.dscd.msk.f32 $0xffff, v8, v0;
	_ =	sdelay $0x9  }
0x16: {  	v5, v6, _ =	vpop (xrf1)  }
0x17: {  	v5 =	vperm.xlane v5, v4;
	v6 =	vperm.xlane v6, v4;
	v7, v8, _ =	vpop (xrf1)  }
0x18: {  	v7 =	vperm.xlane v7, v4;
	v9, v10, _ =	vpop (xrf1)  }
0x19: {  	v8 =	vperm.xlane v8, v4;
	v5 =	vsel vm0, v9, v5;
	v6 =	vsel vm0, v10, v6  }
0x1a: {  	v9, v10, _ =	vpop (xrf1);
	(xrf1) =	vsort.dscd.msk.f32 $0xffff, v5, v6  }
0x1b: {  	v5 =	vsel vm0, v9, v7;
	v6 =	vsel vm0, v10, v8  }
0x1c: {  	(xrf1) =	vsort.dscd.msk.f32 $0xffff, v5, v6;
	_ =	sdelay $0xb  }
0x1d: {  	v5, v6, _ =	vpop (xrf1)  }
0x1e: {  	v5 =	vperm.xlane v5, v4;
	v6 =	vperm.xlane v6, v4  }
0x1f: {  	v7, v8, _ =	vpop (xrf1)  }
0x20: {  	v5 =	vsel vm0, v7, v5;
	v6 =	vsel vm0, v8, v6  }
0x21: {  	(xrf1) =	vsort.dscd.msk.f32 $0xffff, v5, v6;
	_ =	sdelay $0xd  }
0x22: {  	s14 =	sshra.s32 s11, $0x2;
	s11 =	smov.u32 s13;
	v5, v6, _ =	vpop (xrf1)  }
0x23: {  	[tilespmem:s14+$0x4480] =	vst v6;
	(xrf0) =	vmax.scan.msk.f32 $0xffff, v5;
	_ =	sdelay $0x5  }
0x24: {  	v6, _, _ =	vpop (xrf0)  }
0x25: {  	v6 =	vbroadcast v6, $0xF;
	_ =	sdelay $0x1  }
0x26: {  	v5 =	vsub.f32 v5, v6;
	_ =	sdelay $0x1  }
0x27: {  	v5 =	vmul.f32 $1.442695020e+00, v5;
	_ =	sdelay $0x1  }
0x28: {  	(erf) = vpow2.f32 v5;
	_ =	sdelay $0x8  }
0x29: {  	v5 =	vpop (erf)  }
0x2a: {  	v5 =	vnsel vm0, $0x0, v5  }
0x2b: {  	(xrf2) =	vadd.scan.msk.f32 $0xffff, v5;
	_ =	sdelay $0x9  }
0x2c: {  	v6, _, _ =	vpop (xrf2)  }
0x2d: {  	v6 =	vbroadcast v6, $0xF;
	_ =	sdelay $0x1  }
0x2e: {  	(erf) = vrcp.f32 v6;
	_ =	sdelay $0x8  }
.Ltmp0:
0x2f: {  	v6 =	vpop (erf);
	(pc) =	sbr.rel @p0 .LBB2_2-.Ltmp0, $3  }
0x30: {  	v5 =	vmul.f32 v6, v5;
	_ =	sdelay $0x1  }
0x31: {  	s12 =	sadd.s32 $0x80, s12;
	[tilespmem:s14+$0x4000] =	vst v5  }
0x32: {  	s13 =	sadd.s32 $0x20, s13;
	v5 =	vld [tilespmem:s12+$0x10]  }
0x33: {  	v6 =	vld [tilespmem:s12+$0xFFFFFFF0]  }
0x34: {  	v7 =	vld [tilespmem:s12+$0x0];
	_ =	sdelay $0x1  }
0x35: {  	v8 =	vld [tilespmem:s12+$0xFFFFFFE0]  }
0x36: {  	(xrf1) =	vsort.dscd.msk.f32 $0xffff, v5, v3  }
0x37: {  	(xrf1) =	vsort.dscd.msk.f32 $0xffff, v6, v1  }
0x38: {  	(xrf1) =	vsort.dscd.msk.f32 $0xffff, v7, v2;
	_ =	sdelay $0x1  }
0x39: {  	(xrf1) =	vsort.dscd.msk.f32 $0xffff, v8, v0;
	_ =	sdelay $0x9  }
0x3a: {  	v5, v6, _ =	vpop (xrf1)  }
0x3b: {  	v5 =	vperm.xlane v5, v4;
	v6 =	vperm.xlane v6, v4;
	v7, v60, _ =	vpop (xrf1)  }
0x3c: {  	v7 =	vperm.xlane v7, v4;
	v9, v10, _ =	vpop (xrf1)  }
0x3d: {  	v8 =	vperm.xlane v60, v4;
	v5 =	vsel vm0, v9, v5;
	v6 =	vsel vm0, v10, v6  }
0x3e: {  	v61, v62, _ =	vpop (xrf1);
	(xrf1) =	vsort.dscd.msk.f32 $0xffff, v5, v6  }
0x3f: {  	v5 =	vsel vm0, v61, v7;
	v6 =	vsel vm0, v62, v8  }
0x40: {  	(xrf1) =	vsort.dscd.msk.f32 $0xffff, v5, v6;
	_ =	sdelay $0xb  }
0x41: {  	v5, v6, _ =	vpop (xrf1)  }
0x42: {  	v5 =	vperm.xlane v5, v4;
	v6 =	vperm.xlane v6, v4  }
0x43: {  	v7, v63, _ =	vpop (xrf1)  }
0x44: {  	v5 =	vsel vm0, v7, v5;
	v6 =	vsel vm0, v63, v6  }
0x45: {  	(xrf1) =	vsort.dscd.msk.f32 $0xffff, v5, v6;
	_ =	sdelay $0xd  }
0x46: {  	v5, v6, _ =	vpop (xrf1)  }
0x47: {  	(xrf0) =	vmax.scan.msk.f32 $0xffff, v5;
	_ =	sdelay $0x5  }
0x48: {  	v7, _, _ =	vpop (xrf0)  }
0x49: {  	v7 =	vbroadcast v7, $0xF;
	_ =	sdelay $0x1  }
0x4a: {  	v5 =	vsub.f32 v5, v7;
	_ =	sdelay $0x1  }
0x4b: {  	v5 =	vmul.f32 $1.442695020e+00, v5;
	_ =	sdelay $0x1  }
0x4c: {  	(erf) = vpow2.f32 v5;
	_ =	sdelay $0x8  }
0x4d: {  	v5 =	vpop (erf)  }
0x4e: {  	v5 =	vnsel vm0, $0x0, v5  }
0x4f: {  	(xrf2) =	vadd.scan.msk.f32 $0xffff, v5;
	_ =	sdelay $0x9  }
0x50: {  	v7, _, _ =	vpop (xrf2)  }
0x51: {  	v7 =	vbroadcast v7, $0xF;
	_ =	sdelay $0x1  }
0x52: {  	(erf) = vrcp.f32 v7;
	_ =	sdelay $0x8  }
0x53: {  	v7 =	vpop (erf)  }
0x54: {  	s11 =	sshra.s32 s11, $0x2;
	v5 =	vmul.f32 v7, v5  }
0x55: {  	[tilespmem:s11+$0x4480] =	vst v6  }
0x56: {  	[tilespmem:s11+$0x4000] =	vst v5  }
0x57: {  	[hbm4b:s4+s2] =	stream.linear.scatter [tilespmem:s8], [sflag:$0x1], $0x400, $0x38;
	[tilespmem:$0x4900] =	vst v63  }
0x58: {  	s10 =	sadd.s32 $0x1, s10;
	_ =	swait.ge [sflag:s7], $0x400  }
0x59: {  	p0 =	sne.s32 s10, s6;
	[sflag:s7] =	ssyncset.done $0x0  }
.Ltmp1:
0x5a: {  	[sflag:s7] =	ssyncadd.s32 $0xFFFFFC00;
	(pc) =	sbr.rel @p0 .LBB2_1-.Ltmp1, $4  }
0x5b: {  	[hbm4b:s5+s2] =	stream.linear.scatter [tilespmem:s9], [sflag:$0x1], $0x400, $0x38;
	[tilespmem:$0x4900] =	vst v63  }
0x5c: {  	_ =	swait.ge [sflag:s7], $0x400  }
0x5d: {  	[sflag:s7] =	ssyncset.done $0x0  }
0x5e: {  	[sflag:s7] =	ssyncadd.s32 $0xFFFFFC00  }
0x5f: {  	_ =	sfence.sel $0x180000  }
0x60: {  	[bflag:$0x0] =	sbarrier.arrive $0xFFFF  }
0x61: {  	p0 =	sne.s32 s1, $0x0;
	_ =	strace $0x9000004A  }
0x62: {  	s0 =	sadd.s32 @!p0 $0x100000, s0;
	[bflag:$0x2] =	sbarrier.arrive $0xFFFF  }
0x63: {  	[sflag:s0] =	ssyncadd.tile.s32 @!p0 $0x1;
	_ =	shalt  }
.Lfunc_end2:
_tile_overlayer_lowered:
.L_overlay_start_2:
0x64: {  	(tag) =	ssettag $0x2  }
0x65: {  	s0 =	rddreg [dreg:$0x0];
	s2 =	stileid.u32  }
0x66: {  	s1 =	rddreg [dreg:$0x1];
	p0 =	sne.s32 s2, $0x0  }
0x67: {  	s3 =	rddreg [dreg:$0x2];
	[bflag:$0x3] =	sbarrier.arrive $0xFFFF;
	s2 =	simm.s32 @!p0 $0x1C01  }
0x68: {  	[timem:s3], [sflag:s2] =	dma.local @!p0 [hbm:s0], s1  }
0x69: {  	s0 =	simm.s32 @!p0 $0x1  }
0x6a: {  	_ =	swait.ge @!p0 [sflag:s0], s1  }
0x6b: {  	s1 =	ssub.s32 @!p0 $0x0, s1;
	[sflag:s0] =	ssyncset.done @!p0 $0x0  }
0x6c: {  	[sflag:s0] =	ssyncadd.s32 @!p0 s1  }
0x6d: {  	[bflag:$0x3] =	sbarrier.arrive $0xFFFF  }
0x6e: {  	_ =	shalt  }

// kernel: kernel.19.cloned.1.call-start
scs
__scs_entry_jumppad:
0x0: {  	(pc) =	sbr.rel $0x88, $3  }
0x1: {  	(tag) =	ssettag $0x0;
	lr =	simm.s32 $0x1  }
0x2: {  	[smem:$0x3F9F] =	sst lr;
	_ =	strace $0xD0000000  }
0x3: {  	_ = 	snop  }
0x4: {  	_ = 	snop  }
0x5: {  	_ = 	snop  }
0x6: {  	_ = 	snop  }
0x7: {  	_ = 	snop  }
__scs_overlays_trampoline_lowered:
0x8: {  	[smem:$0x3FAE] =	sst s0  }
0x9: {  	[smem:$0x3FAF] =	sst s1  }
0xa: {  	[smem:$0x3FB0] =	sst s2  }
0xb: {  	[smem:$0x3FB1] =	sst s3  }
0xc: {  	[smem:$0x3FB2] =	sst s4  }
0xd: {  	[smem:$0x3FB3] =	sst s5  }
0xe: {  	[smem:$0x3FB4] =	sst s6  }
0xf: {  	[smem:$0x3FB5] =	sst s7  }
0x10: {  	[smem:$0x3FB6] =	sst s8  }
0x11: {  	[smem:$0x3FB7] =	sst s9;
	s0 =	simm.s32 @!p0 $0x0  }
0x12: {  	s1 =	sld [smem:$0x3F9D];
	s0 =	simm.s32 @p0 $0x1  }
0x13: {  	[smem:$0x3FB8] =	sst s0;
	s0 =	simm.s32 @!p1 $0x0  }
0x14: {  	s2 =	sld [smem:$0x3F9C];
	s0 =	simm.s32 @p1 $0x1  }
0x15: {  	[smem:$0x3FB9] =	sst s0;
	s0 =	simm.s32 @!p2 $0x0  }
0x16: {  	s3 =	sld [smem:$0x3FDB];
	s0 =	simm.s32 @p2 $0x1  }
0x17: {  	s4 =	simm.s32 $0x1BF5;
	[smem:$0x3FBB] =	sst s0  }
0x18: {  	s0 =	sld [smem:$0x3F9E];
	_ =	swait.ge [sflag:s4], $0x0  }
0x19: {  	s7 =	sld [smem:$0x3F9F]  }
0x1a: {  	s8 =	sadd.s32 $0xFFFFE003, lr  }
0x1b: {  	s9 =	sadd.s32 $0xFFFFFEF7, lr;
	s5 =	simm.s32 $0xFFFFFFFF;
	p2 =	slt.u32 s8, $0xFFFFF086  }
0x1c: {  	p1 =	slt.u32 s9, $0xF7A;
	s5 =	simm.s32 @!p2 $0x0  }
0x1d: {  	s5 =	simm.s32 @p1 $0x1;
	p0 =	seq.s32 s7, s2  }
0x1e: {  	s7 =	smul.u32 @!p0 $0xF7A, s2;
	p2 =	seq.s32 @!p0 s5, $0x0  }
0x1f: {  	s9 =	smul.u32 $0xF7A, s1;
	s8 =	simm.s32 @!p0 $0x1BF5;
	p2 =	por !p2, p0  }
0x20: {  	[sflag:s8] =	ssyncset.s32 @!p0 $0xFFFFF086;
	s6 =	sadd.s32 @!p0 s3, s7;
	s7 =	simm.s32 @!p0 $0x108  }
0x21: {  	s3 =	sadd.s32 s3, s9;
	s6 =	sadd.s32 @!p0 $0x88, s6;
	s7 =	simm.s32 @p2 $0x1082  }
0x22: {  	[simem:s7], [sflag:s8] =	dma.local @!p0 [hbm:s6], $0xF7A  }
0x23: {  	s9 =	sor.u32 $0xD0000000, s2;
	s6 =	simm.s32 $0x108;
	_ =	swait.ge @!p0 [sflag:s8], $0x0  }
0x24: {  	s3 =	sadd.s32 $0x88, s3;
	s6 =	simm.s32 @!p1 $0x1082;
	[sflag:s4] =	ssyncset.s32 $0xFFFFF086  }
0x25: {  	[simem:s6], [sflag:s4] =	dma.local [hbm:s3], $0xF7A  }
0x26: {  	[smem:$0x3F9F] =	sst s1;
	(tag) =	ssettag s2;
	_ =	strace s9  }
0x27: {  	s1 =	sld [smem:$0x3FAF]  }
0x28: {  	s2 =	sld [smem:$0x3FB0]  }
0x29: {  	s4 =	sld [smem:$0x3FB2]  }
0x2a: {  	p0 =	seq.s32 s5, $0x0;
	s5 =	sld [smem:$0x3FB3]  }
0x2b: {  	s6 =	sld [smem:$0x3FB4]  }
0x2c: {  	s7 =	sld [smem:$0x3FB5]  }
0x2d: {  	s3 =	simm.s32 $0x108;
	s8 =	sld [smem:$0x3FB6]  }
0x2e: {  	s3 =	simm.s32 @!p0 $0x1082;
	s9 =	sld [smem:$0x3FB7]  }
0x2f: {  	lr =	sadd.s32 s0, s3;
	s0 =	sld [smem:$0x3FAE]  }
0x30: {  	s3 =	sld [smem:$0x3FB1]  }
0x31: {  	[smem:$0x3FBA] =	sst s10  }
0x32: {  	s10 =	sld [smem:$0x3FB8];
	_ =	sdelay $0x3  }
0x33: {  	p0 =	seq.s32 s10, $0x1;
	s10 =	sld [smem:$0x3FBA];
	_ =	sdelay $0x3  }
0x34: {  	[smem:$0x3FBA] =	sst s10  }
0x35: {  	s10 =	sld [smem:$0x3FB9];
	_ =	sdelay $0x3  }
0x36: {  	p1 =	seq.s32 s10, $0x1;
	s10 =	sld [smem:$0x3FBA];
	_ =	sdelay $0x3  }
0x37: {  	[smem:$0x3FBA] =	sst s10  }
0x38: {  	s10 =	sld [smem:$0x3FBB]  }
0x39: {  	_ = 	snop;
	(pc) =	sbr.ind lr, $3  }
0x3a: {  	_ = 	snop  }
0x3b: {  	_ = 	snop  }
0x3c: {  	p2 =	seq.s32 s10, $0x1;
	s10 =	sld [smem:$0x3FBA]  }
0x3d: {  	_ =	shalt  }
0x3e: {  	_ =	shalt  }
0x3f: {  	_ =	shalt  }
0x40: {  	_ =	shalt  }
0x41: {  	_ =	shalt  }
0x42: {  	_ =	shalt  }
0x43: {  	_ =	shalt  }
0x44: {  	_ =	shalt  }
0x45: {  	_ =	shalt  }
0x46: {  	_ =	shalt  }
0x47: {  	_ =	shalt  }
0x48: {  	_ =	shalt  }
0x49: {  	_ =	shalt  }
0x4a: {  	_ =	shalt  }
0x4b: {  	_ =	shalt  }
0x4c: {  	_ =	shalt  }
0x4d: {  	_ =	shalt  }
0x4e: {  	_ =	shalt  }
0x4f: {  	_ =	shalt  }
0x50: {  	_ =	shalt  }
0x51: {  	_ =	shalt  }
0x52: {  	_ =	shalt  }
0x53: {  	_ =	shalt  }
0x54: {  	_ =	shalt  }
0x55: {  	_ =	shalt  }
0x56: {  	_ =	shalt  }
0x57: {  	_ =	shalt  }
0x58: {  	_ =	shalt  }
0x59: {  	_ =	shalt  }
0x5a: {  	_ =	shalt  }
0x5b: {  	_ =	shalt  }
0x5c: {  	_ =	shalt  }
0x5d: {  	_ =	shalt  }
0x5e: {  	_ =	shalt  }
0x5f: {  	_ =	shalt  }
0x60: {  	_ =	shalt  }
0x61: {  	_ =	shalt  }
0x62: {  	_ =	shalt  }
0x63: {  	_ =	shalt  }
0x64: {  	_ =	shalt  }
0x65: {  	_ =	shalt  }
0x66: {  	_ =	shalt  }
0x67: {  	_ =	shalt  }
0x68: {  	_ =	shalt  }
0x69: {  	_ =	shalt  }
0x6a: {  	_ =	shalt  }
0x6b: {  	_ =	shalt  }
0x6c: {  	_ =	shalt  }
0x6d: {  	_ =	shalt  }
0x6e: {  	_ =	shalt  }
0x6f: {  	_ =	shalt  }
0x70: {  	_ =	shalt  }
0x71: {  	_ =	shalt  }
0x72: {  	_ =	shalt  }
0x73: {  	_ =	shalt  }
0x74: {  	_ =	shalt  }
0x75: {  	_ =	shalt  }
0x76: {  	_ =	shalt  }
0x77: {  	_ =	shalt  }
0x78: {  	_ =	shalt  }
0x79: {  	_ =	shalt  }
0x7a: {  	_ =	shalt  }
0x7b: {  	_ =	shalt  }
0x7c: {  	_ =	shalt  }
0x7d: {  	_ =	shalt  }
0x7e: {  	_ =	shalt  }
0x7f: {  	_ =	shalt  }
0x80: {  	_ =	shalt  }
0x81: {  	_ =	shalt  }
0x82: {  	_ =	shalt  }
0x83: {  	_ =	shalt  }
0x84: {  	_ =	shalt  }
0x85: {  	_ =	shalt  }
0x86: {  	_ =	shalt  }
0x87: {  	_ =	shalt  }
.Lfunc_end0:
.L_simem_size_0:
called_computation.3_lowered:
.L_overlay_start_0:
0x88: {  	s2 =	sld [smem:$0x3FD9]  }
0x89: {  	s3 =	sld [smem:$0x3FFE];
	_ =	sdelay $0x1  }
0x8a: {  	s1 =	srdreg.scid  }
0x8b: {  	s0 =	sand.u32 $0x1, s1  }
0x8c: {  	s16 =	sshll.u32 s0, $0xA;
	s2 =	sadd.s32 s3, s2  }
0x8d: {  	s2 =	sadd.s32 s2, s16  }
0x8e: {  	[smem:$0x3FC6] =	sst s2  }
0x8f: {  	_ = 	snop  }
0x90: {  	(tm) =	ssettm $0x1  }
0x91: {  	s17 =	sld [smem:$0x3FFB];
	_ =	sdelay $0x3  }
0x92: {  	_ =	strace s17  }
0x93: {  	s2 =	sld [smem:$0x3FFC];
	_ =	sdelay $0x3  }
0x94: {  	_ =	strace s2  }
0x95: {  	s2 =	sld [smem:$0x3FFD];
	_ =	sdelay $0x3  }
0x96: {  	_ =	strace s2  }
0x97: {  	_ =	strace $0x8FFFFFFF  }
0x98: {  	s18 =	sld [smem:$0x3FDB];
	_ =	sdelay $0x1  }
0x99: {  	s19 =	simm.s32 $_scs_section_size  }
0x9a: {  	s4 =	simm.s32 $_size__tile_overlayer_lowered;
	s5 =	simm.s32 $_tile_overlayer_lowered  }
0x9b: {  	s22 =	simm.s32 $0x1BFF;
	s21 =	sshll.u32 s5, $0x1;
	s2 =	sadd.s32 s19, s18  }
0x9c: {  	s6 =	simm.s32 $0x0;
	s20 =	sshll.u32 s4, $0x1;
	s4 =	sadd.s32 s21, s2  }
0x9d: {  	[timem:s6], [sflag:s22] =	dma.local [hbm:s4], s20  }
0x9e: {  	_ =	swait.ge [sflag:s22], s20  }
0x9f: {  	s3 =	ssub.s32 $0x0, s20;
	[sflag:s22] =	ssyncset.done $0x0  }
0xa0: {  	[sflag:s22] =	ssyncadd.s32 s3;
	_ =	sdelay $0x1  }
0xa1: {  	s23 =	simm.s32 $0x1B8B  }
0xa2: {  	_ =	swait.ge [sflag:s23], $0x1  }
0xa3: {  	[sflag:s23] =	ssyncset.done $0x0  }
0xa4: {  	s25 =	simm.s32 $0x1B8E;
	s24 =	sld [smem:$0x3FFE];
	[sflag:s23] =	ssyncadd.s32 $0xFFFFFFFF  }
0xa5: {  	s26 =	simm.s32 $execute0_lowered;
	[smem:$0x3FD2] =	sst s25  }
0xa6: {  	s4 =	sshll.u32 s26, $0x1;
	_ =	strace $0x80000046;
	[dreg:$0x1] =	wrdreg $0xFFFFFFFF  }
0xa7: {  	s28 =	simm.s32 $_size_execute0_lowered;
	s2 =	sadd.s32 s2, s4;
	[dreg:$0x0] =	wrdreg $0x0  }
0xa8: {  	s4 =	sshll.u32 s28, $0x1;
	[dreg:$0x2] =	wrdreg s2  }
0xa9: {  	[dreg:$0x3] =	wrdreg s4  }
0xaa: {  	[dreg:$0x4] =	wrdreg $0xC0  }
0xab: {  	_ =	task [dreg:s6], $0x5FFFF  }
0xac: {  	[dreg:$0x1] =	wrdreg $0xFFFFFFFF  }
0xad: {  	[dreg:$0x0] =	wrdreg $0x60  }
0xae: {  	[dreg:$0x2] =	wrdreg s24  }
0xaf: {  	[dreg:$0x3] =	wrdreg $0xC  }
0xb0: {  	_ =	task.clear_ibuf [dreg:s6], $0x4FFFF;
	_ =	strace $0x90000046  }
0xb1: {  	s29 =	simm.s32 $0xC;
	_ =	strace $0x80000048  }
0xb2: {  	_ =	swait.ge [sflag:s29], $0x1  }
0xb3: {  	[sflag:s29] =	ssyncadd.s32 $0xFFFFFFFF  }
0xb4: {  	_ =	strace $0x90000048  }
0xb5: {  	_ =	sfence  }
0xb6: {  	s30 =	sld [smem:$0x0];
	_ =	sdelay $0x2  }
0xb7: {  	s31 =	sshll.u32 s1, $0xD;
	s1 =	sshrl.u32 s1, $0x2  }
0xb8: {  	s3 =	sand.u32 $0x4000, s31;
	s1 =	sadd.s32 s1, s30  }
0xb9: {  	s0 =	sor.u32 s3, s0;
	s1 =	sshll.u32 s1, $0x11  }
0xba: {  	s0 =	sor.u32 s1, s0  }
0xbb: {  	s0 =	sadd.s32 $0x8F2B, s0  }
0xbc: {  	[sflag:s0] =	ssyncadd.remote.s32 $0x1  }
0xbd: {  	_ =	sfence.sel $0xFFFF  }
0xbe: {  	[dreg:$0x0] =	wrdreg $0xFFFFFFFF;
	(pc) =	sbr.abs _section_cstart, $3  }
0xbf: {  	[dreg:$0x1] =	wrdreg $0xFFFFFFFF  }
0xc0: {  	_ =	task.clear_ibuf [dreg:s6], $0x2FFFF;
	_ =	strace $0x9FFFFFFF  }
0xc1: {  	(tm) =	ssettm $0x7FFFFFFF  }
tec
execute0_lowered:
.L_overlay_start_1:
0x0: {  	(tag) =	ssettag $0x1  }
0x1: {  	s3 =	rddreg [dreg:$0x0];
	v0 =	vimm.s32 $0xE40000  }
0x2: {  	s0 =	rddreg [dreg:$0x1];
	s2 =	simm.s32 $0x0;
	s4 =	srdreg.scid;
	v0 =	vunpack.c.l.s2.s4 v0  }
0x3: {  	s1 =	stileid.u32;
	s8 =	simm.s32 $0x4000;
	s9 =	simm.s32 $0x4480  }
0x4: {  	[smem:$0x7FF] =	sst s2;
	s4 =	sand.u32 $0x1, s4;
	s5 =	sshll.u32 s1, $0x1;
	v1 =	vunpack.c.l.s4.s8 v0  }
0x5: {  	s10 =	simm.s32 $0x0;
	_ =	strace $0x80000047;
	s5 =	sor.u32 s4, s5  }
0x6: {  	v2 =	vimm.s32 $0x7060504;
	s4 =	ssub.s32 $0x2, s4;
	s6 =	sshll.u32 s5, $0xB;
	s5 =	sshll.u32 s5, $0x7;
	v3 =	vunpack.c.0.s8.s32 v1  }
0x7: {  	vm0 =	vcmask $0x3F30;
	v4 =	vunpack.c.0.s8.s32 v2;
	s31 =	sshrl.u32 s4, $0x1;
	v0 =	vlaneseq.u32;
	s6 =	sadd.s32 s6, s3;
	s5 =	sadd.s32 s5, s3  }
0x8: {  	s7 =	ssub.s32 s4, s31;
	v2 =	vor.u32 $0x20, v0;
	s3 =	sadd.s32 $0x3800, s6;
	s4 =	sadd.s32 $0x13800, s5;
	v1 =	vor.u32 $0x10, v0;
	v5 =	vand.u32 $0x3, v3  }
0x9: {  	s5 =	sadd.s32 $0x14800, s5;
	s6 =	smax.u32 s7, $0x1;
	s7 =	simm.s32 $0x1;
	v3 =	vor.u32 $0x30, v0;
	v4 =	vsel vm0, v4, v5;
	vm0 =	vmmov $0xff  }
.LBB2_1:
0xa: {  	[tilespmem:s2], [sflag:$0x1] =	stream.linear.gather [hbm4b:s3+s2], $0x4000, $0x38;
	[tilespmem:$0x4900] =	vst v63  }
0xb: {  	_ =	swait.ge [sflag:s7], $0x4000  }
0xc: {  	[sflag:s7] =	ssyncset.done $0x0  }
0xd: {  	s12 =	simm.s32 $0x20;
	[sflag:s7] =	ssyncadd.s32 $0xFFFFC000  }
0xe: {  	s13 =	simm.s32 $0x20;
	s11 =	simm.s32 $0x0;
	v5 =	vld [tilespmem:s12+$0x10]  }
.LBB2_2:
0xf: {  	p0 =	sne.s32 s13, $0xFE0;
	v6 =	vld [tilespmem:s12+$0xFFFFFFF0]  }
0x10: {  	v7 =	vld [tilespmem:s12+$0x0];
	_ =	sdelay $0x1  }
0x11: {  	v8 =	vld [tilespmem:s12+$0xFFFFFFE0]  }
0x12: {  	(xrf1) =	vsort.dscd.msk.f32 $0xffff, v5, v3  }
0x13: {  	(xrf1) =	vsort.dscd.msk.f32 $0xffff, v6, v1  }
0x14: {  	(xrf1) =	vsort.dscd.msk.f32 $0xffff, v7, v2;
	_ =	sdelay $0x1  }
0x15: {  	(xrf1) =	vsort.dscd.msk.f32 $0xffff, v8, v0;
	_ =	sdelay $0x9  }
0x16: {  	v5, v6, _ =	vpop (xrf1)  }
0x17: {  	v5 =	vperm.xlane v5, v4;
	v6 =	vperm.xlane v6, v4;
	v7, v8, _ =	vpop (xrf1)  }
0x18: {  	v7 =	vperm.xlane v7, v4;
	v9, v10, _ =	vpop (xrf1)  }
0x19: {  	v8 =	vperm.xlane v8, v4;
	v5 =	vsel vm0, v9, v5;
	v6 =	vsel vm0, v10, v6  }
0x1a: {  	v9, v10, _ =	vpop (xrf1);
	(xrf1) =	vsort.dscd.msk.f32 $0xffff, v5, v6  }
0x1b: {  	v5 =	vsel vm0, v9, v7;
	v6 =	vsel vm0, v10, v8  }
0x1c: {  	(xrf1) =	vsort.dscd.msk.f32 $0xffff, v5, v6;
	_ =	sdelay $0xb  }
0x1d: {  	v5, v6, _ =	vpop (xrf1)  }
0x1e: {  	v5 =	vperm.xlane v5, v4;
	v6 =	vperm.xlane v6, v4  }
0x1f: {  	v7, v8, _ =	vpop (xrf1)  }
0x20: {  	v5 =	vsel vm0, v7, v5;
	v6 =	vsel vm0, v8, v6  }
0x21: {  	(xrf1) =	vsort.dscd.msk.f32 $0xffff, v5, v6;
	_ =	sdelay $0xd  }
0x22: {  	s14 =	sshra.s32 s11, $0x2;
	s11 =	smov.u32 s13;
	v5, v6, _ =	vpop (xrf1)  }
0x23: {  	[tilespmem:s14+$0x4480] =	vst v6;
	(xrf0) =	vmax.scan.msk.f32 $0xffff, v5;
	_ =	sdelay $0x5  }
0x24: {  	v6, _, _ =	vpop (xrf0)  }
0x25: {  	v6 =	vbroadcast v6, $0xF;
	_ =	sdelay $0x1  }
0x26: {  	v5 =	vsub.f32 v5, v6;
	_ =	sdelay $0x1  }
0x27: {  	v5 =	vmul.f32 $1.442695020e+00, v5;
	_ =	sdelay $0x1  }
0x28: {  	(erf) = vpow2.f32 v5;
	_ =	sdelay $0x8  }
0x29: {  	v5 =	vpop (erf)  }
0x2a: {  	v5 =	vnsel vm0, $0x0, v5  }
0x2b: {  	(xrf2) =	vadd.scan.msk.f32 $0xffff, v5;
	_ =	sdelay $0x9  }
0x2c: {  	v6, _, _ =	vpop (xrf2)  }
0x2d: {  	v6 =	vbroadcast v6, $0xF;
	_ =	sdelay $0x1  }
0x2e: {  	(erf) = vrcp.f32 v6;
	_ =	sdelay $0x8  }
.Ltmp0:
0x2f: {  	v6 =	vpop (erf);
	(pc) =	sbr.rel @p0 .LBB2_2-.Ltmp0, $3  }
0x30: {  	v5 =	vmul.f32 v6, v5;
	_ =	sdelay $0x1  }
0x31: {  	s12 =	sadd.s32 $0x80, s12;
	[tilespmem:s14+$0x4000] =	vst v5  }
0x32: {  	s13 =	sadd.s32 $0x20, s13;
	v5 =	vld [tilespmem:s12+$0x10]  }
0x33: {  	v6 =	vld [tilespmem:s12+$0xFFFFFFF0]  }
0x34: {  	v7 =	vld [tilespmem:s12+$0x0];
	_ =	sdelay $0x1  }
0x35: {  	v8 =	vld [tilespmem:s12+$0xFFFFFFE0]  }
0x36: {  	(xrf1) =	vsort.dscd.msk.f32 $0xffff, v5, v3  }
0x37: {  	(xrf1) =	vsort.dscd.msk.f32 $0xffff, v6, v1  }
0x38: {  	(xrf1) =	vsort.dscd.msk.f32 $0xffff, v7, v2;
	_ =	sdelay $0x1  }
0x39: {  	(xrf1) =	vsort.dscd.msk.f32 $0xffff, v8, v0;
	_ =	sdelay $0x9  }
0x3a: {  	v5, v6, _ =	vpop (xrf1)  }
0x3b: {  	v5 =	vperm.xlane v5, v4;
	v6 =	vperm.xlane v6, v4;
	v7, v60, _ =	vpop (xrf1)  }
0x3c: {  	v7 =	vperm.xlane v7, v4;
	v9, v10, _ =	vpop (xrf1)  }
0x3d: {  	v8 =	vperm.xlane v60, v4;
	v5 =	vsel vm0, v9, v5;
	v6 =	vsel vm0, v10, v6  }
0x3e: {  	v61, v62, _ =	vpop (xrf1);
	(xrf1) =	vsort.dscd.msk.f32 $0xffff, v5, v6  }
0x3f: {  	v5 =	vsel vm0, v61, v7;
	v6 =	vsel vm0, v62, v8  }
0x40: {  	(xrf1) =	vsort.dscd.msk.f32 $0xffff, v5, v6;
	_ =	sdelay $0xb  }
0x41: {  	v5, v6, _ =	vpop (xrf1)  }
0x42: {  	v5 =	vperm.xlane v5, v4;
	v6 =	vperm.xlane v6, v4  }
0x43: {  	v7, v63, _ =	vpop (xrf1)  }
0x44: {  	v5 =	vsel vm0, v7, v5;
	v6 =	vsel vm0, v63, v6  }
0x45: {  	(xrf1) =	vsort.dscd.msk.f32 $0xffff, v5, v6;
	_ =	sdelay $0xd  }
0x46: {  	v5, v6, _ =	vpop (xrf1)  }
0x47: {  	(xrf0) =	vmax.scan.msk.f32 $0xffff, v5;
	_ =	sdelay $0x5  }
0x48: {  	v7, _, _ =	vpop (xrf0)  }
0x49: {  	v7 =	vbroadcast v7, $0xF;
	_ =	sdelay $0x1  }
0x4a: {  	v5 =	vsub.f32 v5, v7;
	_ =	sdelay $0x1  }
0x4b: {  	v5 =	vmul.f32 $1.442695020e+00, v5;
	_ =	sdelay $0x1  }
0x4c: {  	(erf) = vpow2.f32 v5;
	_ =	sdelay $0x8  }
0x4d: {  	v5 =	vpop (erf)  }
0x4e: {  	v5 =	vnsel vm0, $0x0, v5  }
0x4f: {  	(xrf2) =	vadd.scan.msk.f32 $0xffff, v5;
	_ =	sdelay $0x9  }
0x50: {  	v7, _, _ =	vpop (xrf2)  }
0x51: {  	v7 =	vbroadcast v7, $0xF;
	_ =	sdelay $0x1  }
0x52: {  	(erf) = vrcp.f32 v7;
	_ =	sdelay $0x8  }
0x53: {  	v7 =	vpop (erf)  }
0x54: {  	s11 =	sshra.s32 s11, $0x2;
	v5 =	vmul.f32 v7, v5  }
0x55: {  	[tilespmem:s11+$0x4480] =	vst v6  }
0x56: {  	[tilespmem:s11+$0x4000] =	vst v5  }
0x57: {  	[hbm4b:s4+s2] =	stream.linear.scatter [tilespmem:s8], [sflag:$0x1], $0x400, $0x38;
	[tilespmem:$0x4900] =	vst v63  }
0x58: {  	s10 =	sadd.s32 $0x1, s10;
	_ =	swait.ge [sflag:s7], $0x400  }
0x59: {  	p0 =	sne.s32 s10, s6;
	[sflag:s7] =	ssyncset.done $0x0  }
.Ltmp1:
0x5a: {  	[sflag:s7] =	ssyncadd.s32 $0xFFFFFC00;
	(pc) =	sbr.rel @p0 .LBB2_1-.Ltmp1, $4  }
0x5b: {  	[hbm4b:s5+s2] =	stream.linear.scatter [tilespmem:s9], [sflag:$0x1], $0x400, $0x38;
	[tilespmem:$0x4900] =	vst v63  }
0x5c: {  	_ =	swait.ge [sflag:s7], $0x400  }
0x5d: {  	[sflag:s7] =	ssyncset.done $0x0  }
0x5e: {  	[sflag:s7] =	ssyncadd.s32 $0xFFFFFC00  }
0x5f: {  	_ =	sfence.sel $0x180000  }
0x60: {  	[bflag:$0x0] =	sbarrier.arrive $0xFFFF  }
0x61: {  	p0 =	sne.s32 s1, $0x0;
	_ =	strace $0x90000047  }
0x62: {  	s0 =	sadd.s32 @!p0 $0x100000, s0;
	[bflag:$0x2] =	sbarrier.arrive $0xFFFF  }
0x63: {  	[sflag:s0] =	ssyncadd.tile.s32 @!p0 $0x1;
	_ =	shalt  }
.Lfunc_end2:
_tile_overlayer_lowered:
.L_overlay_start_2:
0x64: {  	(tag) =	ssettag $0x2  }
0x65: {  	s0 =	rddreg [dreg:$0x0];
	s2 =	stileid.u32  }
0x66: {  	s1 =	rddreg [dreg:$0x1];
	p0 =	sne.s32 s2, $0x0  }
0x67: {  	s3 =	rddreg [dreg:$0x2];
	[bflag:$0x3] =	sbarrier.arrive $0xFFFF;
	s2 =	simm.s32 @!p0 $0x1C01  }
0x68: {  	[timem:s3], [sflag:s2] =	dma.local @!p0 [hbm:s0], s1  }
0x69: {  	s0 =	simm.s32 @!p0 $0x1  }
0x6a: {  	_ =	swait.ge @!p0 [sflag:s0], s1  }
0x6b: {  	s1 =	ssub.s32 @!p0 $0x0, s1;
	[sflag:s0] =	ssyncset.done @!p0 $0x0  }
0x6c: {  	[sflag:s0] =	ssyncadd.s32 @!p0 s1  }
0x6d: {  	[bflag:$0x3] =	sbarrier.arrive $0xFFFF  }
0x6e: {  	_ =	shalt  }

</sc_bundles>
